<compile_context>
chip_gen: v7x
topology: tpu7x:2x2x1
jax: 0.10.2.dev20260603
libtpu: 0.0.44.dev20260713+nightly
codegen_flags: <defaults>
</compile_context>

<pallas_src>
import functools

import jax
import jax.numpy as jnp
from jax import lax
from jax.experimental import pallas as pl
from jax.experimental.pallas import tpu as pltpu
from jax.experimental.pallas import tpu_sc as plsc

NC = 2
NS = 16
NW = NC * NS
CH = 80
GRP = 4
V = 8192


@functools.partial(jax.jit, static_argnums=(2, 3))
def _gather(weight, idx, nch, dim):
    bpw = nch * CH
    nchh = nch // 2
    ngrp = nchh // GRP
    rpt = V // NS

    mesh = plsc.VectorSubcoreMesh(core_axis_name="c", subcore_axis_name="s")

    @functools.partial(
        pl.kernel,
        mesh=mesh,
        out_type=jax.ShapeDtypeStruct((NW * bpw, dim), jnp.float32),
        scratch_types=[
            pltpu.VMEM((nchh, CH), jnp.int32),
            pltpu.VMEM((GRP * CH, dim), jnp.float32),
            pltpu.VMEM_SHARED((V, dim), jnp.float32),
            pltpu.SemaphoreType.DMA,
            pltpu.SemaphoreType.DMA,
        ],
    )
    def body(table_hbm, idx_hbm, out_hbm, idx_v, rows_v, tab_s, gsem, ssem):
        c = lax.axis_index("c")
        s = lax.axis_index("s")
        wid = s * NC + c
        base = wid * bpw

        src0 = s * rpt

        @pl.when(s == 0)
        def _first_stripe():
            pltpu.sync_copy(table_hbm.at[pl.ds(8, rpt - 8)], tab_s.at[pl.ds(7, rpt - 8)])
            pltpu.sync_copy(table_hbm.at[pl.ds(0, 8)], rows_v.at[pl.ds(0, 8)])
            pltpu.sync_copy(rows_v.at[pl.ds(1, 7)], tab_s.at[pl.ds(0, 7)])

        @pl.when(s != 0)
        def _stripe():
            pltpu.sync_copy(table_hbm.at[pl.ds(src0, rpt)], tab_s.at[pl.ds(src0 - 1, rpt)])

        @pl.when(s == NS - 1)
        def _last_row():
            pltpu.sync_copy(table_hbm.at[pl.ds(V, 1)], rows_v.at[pl.ds(0, 1)])
            pltpu.sync_copy(rows_v.at[pl.ds(0, 1)], tab_s.at[pl.ds(V - 1, 1)])

        plsc.subcore_barrier()

        def start_gather(j, b):
            pltpu.async_copy(tab_s.at[idx_v.at[j]], rows_v.at[pl.ds(b * CH, CH)], gsem)

        def start_scatter(jg, b):
            pltpu.async_copy(
                rows_v.at[pl.ds(b * CH, CH)], out_hbm.at[pl.ds(base + jg * CH, CH)], ssem
            )

        def wait_gather(b):
            pltpu.make_async_copy(
                tab_s.at[pl.ds(0, CH)], rows_v.at[pl.ds(b * CH, CH)], gsem
            ).wait()

        def wait_scatter(b):
            pltpu.make_async_copy(
                rows_v.at[pl.ds(b * CH, CH)], out_hbm.at[pl.ds(0, CH)], ssem
            ).wait()

        for h in range(2):
            pltpu.sync_copy(idx_hbm.at[wid].at[h], idx_v)

            for b in range(GRP):
                if h > 0:
                    wait_scatter(b)
                start_gather(b, b)
            for b in range(GRP):
                wait_gather(b)
                start_scatter(h * nchh + b, b)

            def group(g, carry):
                j0 = g * GRP
                for b in range(GRP):
                    wait_scatter(b)
                    start_gather(j0 + b, b)
                for b in range(GRP):
                    wait_gather(b)
                    start_scatter(h * nchh + j0 + b, b)
                return carry

            lax.fori_loop(1, ngrp, group, 0)

        for b in range(GRP):
            wait_scatter(b)

    return body(weight, idx)


def kernel(input_positions, weight):
    bsz, slen = input_positions.shape
    dim = weight.shape[1]
    total = bsz * slen
    nch = total // (NW * CH)
    idx = input_positions.astype(jnp.int32).reshape(NW, 2, nch // 2, CH)
    out = _gather(weight, idx, nch, dim)
    return out.reshape(bsz, slen, dim)

# --- scband reference (transcript-rebuilt; emitter-appended) ---
"""Pipeline reference for scband-sinusoidal-positional-embedding-77962246357460 (READ-ONLY COPY).

The authoritative reference and input builder live on the scoring server;
editing this copy changes nothing except your own understanding.
"""

import math
import jax, jax.numpy as jnp
import numpy as np

CONTEXT_LEN = 8192
EMBEDDING_DIM = 128


def _make_weight(context_len: int, embedding_dim: int) -> jnp.ndarray:
    cl = context_len + 1
    half_dim = embedding_dim // 2
    w = math.log(10000.0) / (half_dim - 1)
    w = jnp.exp(jnp.arange(half_dim, dtype=jnp.float32) * -w)
    w = jnp.arange(cl, dtype=jnp.float32)[:, None] * w[None, :]
    w = jnp.concatenate([jnp.sin(w), jnp.cos(w)], axis=1).reshape(cl, -1)
    if embedding_dim % 2 == 1:
        w = jnp.concatenate([w, jnp.zeros((cl, 1), dtype=jnp.float32)], axis=1)
    return w


def setup_inputs(seed: int = 0) -> dict:
    key = jax.random.key(seed)
    k1, _ = jax.random.split(key)
    input_positions = jax.random.randint(k1, (4096, 200), 0, 8192)
    weight = _make_weight(CONTEXT_LEN, EMBEDDING_DIM)
    return {"input_positions": input_positions, "weight": weight}


def reference(input_positions, weight):
    batch_size, seq_len = input_positions.shape
    pos = input_positions + 1
    out = jnp.take(weight, pos.reshape(-1), axis=0)
    return out.reshape(batch_size, seq_len, -1)

if __name__ == "__main__":
    import jax
    _d = setup_inputs()
    print(jax.jit(kernel)(*tuple(_d.values())))

</pallas_src>

<mosaic_0001>
#map = affine_map<(d0, d1) -> (0, 0)>
#map1 = affine_map<(d0, d1) -> (0, 0, 0, 0)>
module attributes {stable_mosaic.version = 14 : i64} {
  func.func @body(%arg0: i32, %arg1: i32, %arg2: memref<8193x128xf32, #tpu.memory_space<hbm>>, %arg3: memref<32x2x160x80xi32, #tpu.memory_space<hbm>>, %arg4: memref<819200x128xf32, #tpu.memory_space<hbm>>, %arg5: memref<160x80xi32, #tpu.memory_space<vmem>>, %arg6: memref<320x128xf32, #tpu.memory_space<vmem>>, %arg7: memref<8192x128xf32, #tpu.memory_space<vmem_shared>>, %arg8: memref<!tpu.dma_semaphore, #tpu.memory_space<semaphore_mem>>, %arg9: memref<!tpu.dma_semaphore, #tpu.memory_space<semaphore_mem>>) attributes {dimension_semantics = [#tpu.dimension_semantics<core_parallel>, #tpu.dimension_semantics<subcore_parallel>], iteration_bounds = array<i64: 2, 16>, scalar_prefetch = 0 : i64, scratch_operands = 5 : i64, tpu.core_type = #tpu.core_type<sc_vector_subcore>, window_params = [{transform_indices = #map}, {transform_indices = #map1}, {transform_indices = #map}]} {
    %mul3A = arith.constant 2 : i32
    %mul3A_0 = arith.muli %arg1, %mul3A : i32
    %add3A = arith.addi %mul3A_0, %arg0 : i32
    %mul3A_1 = arith.constant 25600 : i32
    %mul3A_2 = arith.muli %add3A, %mul3A_1 : i32
    %mul3A_3 = arith.constant 512 : i32
    %mul3A_4 = arith.muli %arg1, %mul3A_3 : i32
    %eq3A = arith.constant 0 : i32
    %eq3A_5 = arith.cmpi eq, %arg1, %eq3A : i32
    %convert_element_type3A = arith.extui %eq3A_5 : i1 to i32
    %cond3A = arith.constant 0 : i32
    %cond3A_6 = arith.cmpi ne, %convert_element_type3A, %cond3A : i32
    scf.if %cond3A_6 {
      "tpu.region"() ({
        %run_scoped3A_394 = tpu.sem_alloc : memref<!tpu.dma_semaphore, #tpu.memory_space<semaphore_mem>>
        %dma_start3A_395 = arith.constant 7 : i32
        %dma_start3A_396 = arith.constant 0 : i32
        %dma_start3A_397 = tpu.memref_slice %arg7[%dma_start3A_395, %dma_start3A_396] : memref<8192x128xf32, #tpu.memory_space<vmem_shared>> -> memref<504x128xf32, #tpu.memory_space<vmem_shared>>
        %dma_start3A_398 = arith.constant 8 : i32
        %dma_start3A_399 = arith.constant 0 : i32
        %dma_start3A_400 = tpu.memref_slice %arg2[%dma_start3A_398, %dma_start3A_399] : memref<8193x128xf32, #tpu.memory_space<hbm>> -> memref<504x128xf32, #tpu.memory_space<hbm>>
        tpu.enqueue_dma source(%dma_start3A_400 : memref<504x128xf32, #tpu.memory_space<hbm>>) target(%dma_start3A_397 : memref<504x128xf32, #tpu.memory_space<vmem_shared>>) target_semaphore(%run_scoped3A_394 : memref<!tpu.dma_semaphore, #tpu.memory_space<semaphore_mem>>)
        %dma_wait3A_401 = arith.constant 7 : i32
        %dma_wait3A_402 = arith.constant 0 : i32
        %dma_wait3A_403 = tpu.memref_slice %arg7[%dma_wait3A_401, %dma_wait3A_402] : memref<8192x128xf32, #tpu.memory_space<vmem_shared>> -> memref<504x128xf32, #tpu.memory_space<vmem_shared>>
        %dma_wait3A_404 = arith.constant 8 : i32
        %dma_wait3A_405 = arith.constant 0 : i32
        %dma_wait3A_406 = tpu.memref_slice %arg2[%dma_wait3A_404, %dma_wait3A_405] : memref<8193x128xf32, #tpu.memory_space<hbm>> -> memref<504x128xf32, #tpu.memory_space<hbm>>
        tpu.wait_dma2 semaphore(%run_scoped3A_394 : memref<!tpu.dma_semaphore, #tpu.memory_space<semaphore_mem>>) src(%dma_wait3A_406 : memref<504x128xf32, #tpu.memory_space<hbm>>) dst(%dma_wait3A_403 : memref<504x128xf32, #tpu.memory_space<vmem_shared>>)
        tpu.yield
      }) : () -> ()
      "tpu.region"() ({
        %run_scoped3A_394 = tpu.sem_alloc : memref<!tpu.dma_semaphore, #tpu.memory_space<semaphore_mem>>
        %dma_start3A_395 = arith.constant 0 : i32
        %dma_start3A_396 = arith.constant 0 : i32
        %dma_start3A_397 = tpu.memref_slice %arg6[%dma_start3A_395, %dma_start3A_396] : memref<320x128xf32, #tpu.memory_space<vmem>> -> memref<8x128xf32, #tpu.memory_space<vmem>>
        %dma_start3A_398 = arith.constant 0 : i32
        %dma_start3A_399 = arith.constant 0 : i32
        %dma_start3A_400 = tpu.memref_slice %arg2[%dma_start3A_398, %dma_start3A_399] : memref<8193x128xf32, #tpu.memory_space<hbm>> -> memref<8x128xf32, #tpu.memory_space<hbm>>
        %dma_start3A_401 = arith.constant 0 : i32
        %dma_start3A_402 = arith.constant 0 : i32
        %dma_start3A_403 = tpu.memref_slice %arg6[%dma_start3A_401, %dma_start3A_402] : memref<320x128xf32, #tpu.memory_space<vmem>> -> memref<8x128xf32, #tpu.memory_space<vmem>>
        %dma_start3A_404 = arith.constant 0 : i32
        %dma_start3A_405 = arith.constant 0 : i32
        %dma_start3A_406 = tpu.memref_slice %arg2[%dma_start3A_404, %dma_start3A_405] : memref<8193x128xf32, #tpu.memory_space<hbm>> -> memref<8x128xf32, #tpu.memory_space<hbm>>
        tpu.enqueue_dma source(%dma_start3A_406 : memref<8x128xf32, #tpu.memory_space<hbm>>) target(%dma_start3A_403 : memref<8x128xf32, #tpu.memory_space<vmem>>) target_semaphore(%run_scoped3A_394 : memref<!tpu.dma_semaphore, #tpu.memory_space<semaphore_mem>>)
        %dma_wait3A_407 = arith.constant 0 : i32
        %dma_wait3A_408 = arith.constant 0 : i32
        %dma_wait3A_409 = tpu.memref_slice %arg6[%dma_wait3A_407, %dma_wait3A_408] : memref<320x128xf32, #tpu.memory_space<vmem>> -> memref<8x128xf32, #tpu.memory_space<vmem>>
        %dma_wait3A_410 = arith.constant 0 : i32
        %dma_wait3A_411 = arith.constant 0 : i32
        %dma_wait3A_412 = tpu.memref_slice %arg2[%dma_wait3A_410, %dma_wait3A_411] : memref<8193x128xf32, #tpu.memory_space<hbm>> -> memref<8x128xf32, #tpu.memory_space<hbm>>
        %dma_wait3A_413 = arith.constant 0 : i32
        %dma_wait3A_414 = arith.constant 0 : i32
        %dma_wait3A_415 = tpu.memref_slice %arg6[%dma_wait3A_413, %dma_wait3A_414] : memref<320x128xf32, #tpu.memory_space<vmem>> -> memref<8x128xf32, #tpu.memory_space<vmem>>
        %dma_wait3A_416 = arith.constant 0 : i32
        %dma_wait3A_417 = arith.constant 0 : i32
        %dma_wait3A_418 = tpu.memref_slice %arg2[%dma_wait3A_416, %dma_wait3A_417] : memref<8193x128xf32, #tpu.memory_space<hbm>> -> memref<8x128xf32, #tpu.memory_space<hbm>>
        tpu.wait_dma2 semaphore(%run_scoped3A_394 : memref<!tpu.dma_semaphore, #tpu.memory_space<semaphore_mem>>) src(%dma_wait3A_418 : memref<8x128xf32, #tpu.memory_space<hbm>>) dst(%dma_wait3A_415 : memref<8x128xf32, #tpu.memory_space<vmem>>)
        tpu.yield
      }) : () -> ()
      "tpu.region"() ({
        %run_scoped3A_394 = tpu.sem_alloc : memref<!tpu.dma_semaphore, #tpu.memory_space<semaphore_mem>>
        %dma_start3A_395 = arith.constant 1 : i32
        %dma_start3A_396 = arith.constant 0 : i32
        %dma_start3A_397 = tpu.memref_slice %arg6[%dma_start3A_395, %dma_start3A_396] : memref<320x128xf32, #tpu.memory_space<vmem>> -> memref<7x128xf32, #tpu.memory_space<vmem>>
        %dma_start3A_398 = arith.constant 0 : i32
        %dma_start3A_399 = arith.constant 0 : i32
        %dma_start3A_400 = tpu.memref_slice %arg7[%dma_start3A_398, %dma_start3A_399] : memref<8192x128xf32, #tpu.memory_space<vmem_shared>> -> memref<7x128xf32, #tpu.memory_space<vmem_shared>>
        %dma_start3A_401 = arith.constant 0 : i32
        %dma_start3A_402 = arith.constant 0 : i32
        %dma_start3A_403 = tpu.memref_slice %arg7[%dma_start3A_401, %dma_start3A_402] : memref<8192x128xf32, #tpu.memory_space<vmem_shared>> -> memref<7x128xf32, #tpu.memory_space<vmem_shared>>
        %dma_start3A_404 = arith.constant 1 : i32
        %dma_start3A_405 = arith.constant 0 : i32
        %dma_start3A_406 = tpu.memref_slice %arg6[%dma_start3A_404, %dma_start3A_405] : memref<320x128xf32, #tpu.memory_space<vmem>> -> memref<7x128xf32, #tpu.memory_space<vmem>>
        tpu.enqueue_dma source(%dma_start3A_406 : memref<7x128xf32, #tpu.memory_space<vmem>>) target(%dma_start3A_403 : memref<7x128xf32, #tpu.memory_space<vmem_shared>>) target_semaphore(%run_scoped3A_394 : memref<!tpu.dma_semaphore, #tpu.memory_space<semaphore_mem>>)
        %dma_wait3A_407 = arith.constant 1 : i32
        %dma_wait3A_408 = arith.constant 0 : i32
        %dma_wait3A_409 = tpu.memref_slice %arg6[%dma_wait3A_407, %dma_wait3A_408] : memref<320x128xf32, #tpu.memory_space<vmem>> -> memref<7x128xf32, #tpu.memory_space<vmem>>
        %dma_wait3A_410 = arith.constant 0 : i32
        %dma_wait3A_411 = arith.constant 0 : i32
        %dma_wait3A_412 = tpu.memref_slice %arg7[%dma_wait3A_410, %dma_wait3A_411] : memref<8192x128xf32, #tpu.memory_space<vmem_shared>> -> memref<7x128xf32, #tpu.memory_space<vmem_shared>>
        %dma_wait3A_413 = arith.constant 0 : i32
        %dma_wait3A_414 = arith.constant 0 : i32
        %dma_wait3A_415 = tpu.memref_slice %arg7[%dma_wait3A_413, %dma_wait3A_414] : memref<8192x128xf32, #tpu.memory_space<vmem_shared>> -> memref<7x128xf32, #tpu.memory_space<vmem_shared>>
        %dma_wait3A_416 = arith.constant 1 : i32
        %dma_wait3A_417 = arith.constant 0 : i32
        %dma_wait3A_418 = tpu.memref_slice %arg6[%dma_wait3A_416, %dma_wait3A_417] : memref<320x128xf32, #tpu.memory_space<vmem>> -> memref<7x128xf32, #tpu.memory_space<vmem>>
        tpu.wait_dma2 semaphore(%run_scoped3A_394 : memref<!tpu.dma_semaphore, #tpu.memory_space<semaphore_mem>>) src(%dma_wait3A_418 : memref<7x128xf32, #tpu.memory_space<vmem>>) dst(%dma_wait3A_415 : memref<7x128xf32, #tpu.memory_space<vmem_shared>>)
        tpu.yield
      }) : () -> ()
    } else {
    }
    %ne3A = arith.constant 0 : i32
    %ne3A_7 = arith.cmpi ne, %arg1, %ne3A : i32
    %convert_element_type3A_8 = arith.extui %ne3A_7 : i1 to i32
    %cond3A_9 = arith.constant 0 : i32
    %cond3A_10 = arith.cmpi ne, %convert_element_type3A_8, %cond3A_9 : i32
    scf.if %cond3A_10 {
      %sub3A = arith.constant 1 : i32
      %sub3A_394 = arith.subi %mul3A_4, %sub3A : i32
      "tpu.region"() ({
        %run_scoped3A_395 = tpu.sem_alloc : memref<!tpu.dma_semaphore, #tpu.memory_space<semaphore_mem>>
        %dma_start3A_396 = arith.constant 0 : i32
        %dma_start3A_397 = tpu.memref_slice %arg7[%sub3A_394, %dma_start3A_396] : memref<8192x128xf32, #tpu.memory_space<vmem_shared>> -> memref<512x128xf32, #tpu.memory_space<vmem_shared>>
        %dma_start3A_398 = arith.constant 0 : i32
        %dma_start3A_399 = tpu.memref_slice %arg2[%mul3A_4, %dma_start3A_398] : memref<8193x128xf32, #tpu.memory_space<hbm>> -> memref<512x128xf32, #tpu.memory_space<hbm>>
        tpu.enqueue_dma source(%dma_start3A_399 : memref<512x128xf32, #tpu.memory_space<hbm>>) target(%dma_start3A_397 : memref<512x128xf32, #tpu.memory_space<vmem_shared>>) target_semaphore(%run_scoped3A_395 : memref<!tpu.dma_semaphore, #tpu.memory_space<semaphore_mem>>)
        %dma_wait3A_400 = arith.constant 0 : i32
        %dma_wait3A_401 = tpu.memref_slice %arg7[%sub3A_394, %dma_wait3A_400] : memref<8192x128xf32, #tpu.memory_space<vmem_shared>> -> memref<512x128xf32, #tpu.memory_space<vmem_shared>>
        %dma_wait3A_402 = arith.constant 0 : i32
        %dma_wait3A_403 = tpu.memref_slice %arg2[%mul3A_4, %dma_wait3A_402] : memref<8193x128xf32, #tpu.memory_space<hbm>> -> memref<512x128xf32, #tpu.memory_space<hbm>>
        tpu.wait_dma2 semaphore(%run_scoped3A_395 : memref<!tpu.dma_semaphore, #tpu.memory_space<semaphore_mem>>) src(%dma_wait3A_403 : memref<512x128xf32, #tpu.memory_space<hbm>>) dst(%dma_wait3A_401 : memref<512x128xf32, #tpu.memory_space<vmem_shared>>)
        tpu.yield
      }) : () -> ()
    } else {
    }
    %eq3A_11 = arith.constant 15 : i32
    %eq3A_12 = arith.cmpi eq, %arg1, %eq3A_11 : i32
    %convert_element_type3A_13 = arith.extui %eq3A_12 : i1 to i32
    %cond3A_14 = arith.constant 0 : i32
    %cond3A_15 = arith.cmpi ne, %convert_element_type3A_13, %cond3A_14 : i32
    scf.if %cond3A_15 {
      "tpu.region"() ({
        %run_scoped3A_394 = tpu.sem_alloc : memref<!tpu.dma_semaphore, #tpu.memory_space<semaphore_mem>>
        %dma_start3A_395 = arith.constant 0 : i32
        %dma_start3A_396 = arith.constant 0 : i32
        %dma_start3A_397 = tpu.memref_slice %arg6[%dma_start3A_395, %dma_start3A_396] : memref<320x128xf32, #tpu.memory_space<vmem>> -> memref<1x128xf32, #tpu.memory_space<vmem>>
        %dma_start3A_398 = arith.constant 8192 : i32
        %dma_start3A_399 = arith.constant 0 : i32
        %dma_start3A_400 = tpu.memref_slice %arg2[%dma_start3A_398, %dma_start3A_399] : memref<8193x128xf32, #tpu.memory_space<hbm>> -> memref<1x128xf32, #tpu.memory_space<hbm>>
        %dma_start3A_401 = arith.constant 0 : i32
        %dma_start3A_402 = arith.constant 0 : i32
        %dma_start3A_403 = tpu.memref_slice %arg6[%dma_start3A_401, %dma_start3A_402] : memref<320x128xf32, #tpu.memory_space<vmem>> -> memref<1x128xf32, #tpu.memory_space<vmem>>
        %dma_start3A_404 = arith.constant 8192 : i32
        %dma_start3A_405 = arith.constant 0 : i32
        %dma_start3A_406 = tpu.memref_slice %arg2[%dma_start3A_404, %dma_start3A_405] : memref<8193x128xf32, #tpu.memory_space<hbm>> -> memref<1x128xf32, #tpu.memory_space<hbm>>
        tpu.enqueue_dma source(%dma_start3A_406 : memref<1x128xf32, #tpu.memory_space<hbm>>) target(%dma_start3A_403 : memref<1x128xf32, #tpu.memory_space<vmem>>) target_semaphore(%run_scoped3A_394 : memref<!tpu.dma_semaphore, #tpu.memory_space<semaphore_mem>>)
        %dma_wait3A_407 = arith.constant 0 : i32
        %dma_wait3A_408 = arith.constant 0 : i32
        %dma_wait3A_409 = tpu.memref_slice %arg6[%dma_wait3A_407, %dma_wait3A_408] : memref<320x128xf32, #tpu.memory_space<vmem>> -> memref<1x128xf32, #tpu.memory_space<vmem>>
        %dma_wait3A_410 = arith.constant 8192 : i32
        %dma_wait3A_411 = arith.constant 0 : i32
        %dma_wait3A_412 = tpu.memref_slice %arg2[%dma_wait3A_410, %dma_wait3A_411] : memref<8193x128xf32, #tpu.memory_space<hbm>> -> memref<1x128xf32, #tpu.memory_space<hbm>>
        %dma_wait3A_413 = arith.constant 0 : i32
        %dma_wait3A_414 = arith.constant 0 : i32
        %dma_wait3A_415 = tpu.memref_slice %arg6[%dma_wait3A_413, %dma_wait3A_414] : memref<320x128xf32, #tpu.memory_space<vmem>> -> memref<1x128xf32, #tpu.memory_space<vmem>>
        %dma_wait3A_416 = arith.constant 8192 : i32
        %dma_wait3A_417 = arith.constant 0 : i32
        %dma_wait3A_418 = tpu.memref_slice %arg2[%dma_wait3A_416, %dma_wait3A_417] : memref<8193x128xf32, #tpu.memory_space<hbm>> -> memref<1x128xf32, #tpu.memory_space<hbm>>
        tpu.wait_dma2 semaphore(%run_scoped3A_394 : memref<!tpu.dma_semaphore, #tpu.memory_space<semaphore_mem>>) src(%dma_wait3A_418 : memref<1x128xf32, #tpu.memory_space<hbm>>) dst(%dma_wait3A_415 : memref<1x128xf32, #tpu.memory_space<vmem>>)
        tpu.yield
      }) : () -> ()
      "tpu.region"() ({
        %run_scoped3A_394 = tpu.sem_alloc : memref<!tpu.dma_semaphore, #tpu.memory_space<semaphore_mem>>
        %dma_start3A_395 = arith.constant 0 : i32
        %dma_start3A_396 = arith.constant 0 : i32
        %dma_start3A_397 = tpu.memref_slice %arg6[%dma_start3A_395, %dma_start3A_396] : memref<320x128xf32, #tpu.memory_space<vmem>> -> memref<1x128xf32, #tpu.memory_space<vmem>>
        %dma_start3A_398 = arith.constant 8191 : i32
        %dma_start3A_399 = arith.constant 0 : i32
        %dma_start3A_400 = tpu.memref_slice %arg7[%dma_start3A_398, %dma_start3A_399] : memref<8192x128xf32, #tpu.memory_space<vmem_shared>> -> memref<1x128xf32, #tpu.memory_space<vmem_shared>>
        %dma_start3A_401 = arith.constant 8191 : i32
        %dma_start3A_402 = arith.constant 0 : i32
        %dma_start3A_403 = tpu.memref_slice %arg7[%dma_start3A_401, %dma_start3A_402] : memref<8192x128xf32, #tpu.memory_space<vmem_shared>> -> memref<1x128xf32, #tpu.memory_space<vmem_shared>>
        %dma_start3A_404 = arith.constant 0 : i32
        %dma_start3A_405 = arith.constant 0 : i32
        %dma_start3A_406 = tpu.memref_slice %arg6[%dma_start3A_404, %dma_start3A_405] : memref<320x128xf32, #tpu.memory_space<vmem>> -> memref<1x128xf32, #tpu.memory_space<vmem>>
        tpu.enqueue_dma source(%dma_start3A_406 : memref<1x128xf32, #tpu.memory_space<vmem>>) target(%dma_start3A_403 : memref<1x128xf32, #tpu.memory_space<vmem_shared>>) target_semaphore(%run_scoped3A_394 : memref<!tpu.dma_semaphore, #tpu.memory_space<semaphore_mem>>)
        %dma_wait3A_407 = arith.constant 0 : i32
        %dma_wait3A_408 = arith.constant 0 : i32
        %dma_wait3A_409 = tpu.memref_slice %arg6[%dma_wait3A_407, %dma_wait3A_408] : memref<320x128xf32, #tpu.memory_space<vmem>> -> memref<1x128xf32, #tpu.memory_space<vmem>>
        %dma_wait3A_410 = arith.constant 8191 : i32
        %dma_wait3A_411 = arith.constant 0 : i32
        %dma_wait3A_412 = tpu.memref_slice %arg7[%dma_wait3A_410, %dma_wait3A_411] : memref<8192x128xf32, #tpu.memory_space<vmem_shared>> -> memref<1x128xf32, #tpu.memory_space<vmem_shared>>
        %dma_wait3A_413 = arith.constant 8191 : i32
        %dma_wait3A_414 = arith.constant 0 : i32
        %dma_wait3A_415 = tpu.memref_slice %arg7[%dma_wait3A_413, %dma_wait3A_414] : memref<8192x128xf32, #tpu.memory_space<vmem_shared>> -> memref<1x128xf32, #tpu.memory_space<vmem_shared>>
        %dma_wait3A_416 = arith.constant 0 : i32
        %dma_wait3A_417 = arith.constant 0 : i32
        %dma_wait3A_418 = tpu.memref_slice %arg6[%dma_wait3A_416, %dma_wait3A_417] : memref<320x128xf32, #tpu.memory_space<vmem>> -> memref<1x128xf32, #tpu.memory_space<vmem>>
        tpu.wait_dma2 semaphore(%run_scoped3A_394 : memref<!tpu.dma_semaphore, #tpu.memory_space<semaphore_mem>>) src(%dma_wait3A_418 : memref<1x128xf32, #tpu.memory_space<vmem>>) dst(%dma_wait3A_415 : memref<1x128xf32, #tpu.memory_space<vmem_shared>>)
        tpu.yield
      }) : () -> ()
    } else {
    }
    %barrier3A = arith.constant 0 : index
    tpu.barrier barrier_id(%barrier3A)
    %run_scoped3A = arith.constant 0 : i32
    "tpu.region"() ({
      %run_scoped3A_394 = tpu.sem_alloc : memref<!tpu.dma_semaphore, #tpu.memory_space<semaphore_mem>>
      %dma_start3A_395 = arith.constant 0 : i32
      %dma_start3A_396 = arith.constant 0 : i32
      %dma_start3A_397 = arith.constant 0 : i32
      %dma_start3A_398 = tpu.memref_slice %arg3[%add3A, %dma_start3A_395, %dma_start3A_396, %dma_start3A_397] : memref<32x2x160x80xi32, #tpu.memory_space<hbm>> -> memref<1x2x160x80xi32, #tpu.memory_space<hbm>>
      %dma_start3A_399 = tpu.memref_squeeze %dma_start3A_398 : memref<1x2x160x80xi32, #tpu.memory_space<hbm>> -> memref<2x160x80xi32, #tpu.memory_space<hbm>>
      %dma_start3A_400 = arith.constant 0 : i32
      %dma_start3A_401 = arith.constant 0 : i32
      %dma_start3A_402 = tpu.memref_slice %dma_start3A_399[%run_scoped3A, %dma_start3A_400, %dma_start3A_401] : memref<2x160x80xi32, #tpu.memory_space<hbm>> -> memref<1x160x80xi32, #tpu.memory_space<hbm>>
      %dma_start3A_403 = tpu.memref_squeeze %dma_start3A_402 : memref<1x160x80xi32, #tpu.memory_space<hbm>> -> memref<160x80xi32, #tpu.memory_space<hbm>>
      %dma_start3A_404 = arith.constant 0 : i32
      %dma_start3A_405 = arith.constant 0 : i32
      %dma_start3A_406 = arith.constant 0 : i32
      %dma_start3A_407 = tpu.memref_slice %arg3[%add3A, %dma_start3A_404, %dma_start3A_405, %dma_start3A_406] : memref<32x2x160x80xi32, #tpu.memory_space<hbm>> -> memref<1x2x160x80xi32, #tpu.memory_space<hbm>>
      %dma_start3A_408 = tpu.memref_squeeze %dma_start3A_407 : memref<1x2x160x80xi32, #tpu.memory_space<hbm>> -> memref<2x160x80xi32, #tpu.memory_space<hbm>>
      %dma_start3A_409 = arith.constant 0 : i32
      %dma_start3A_410 = arith.constant 0 : i32
      %dma_start3A_411 = tpu.memref_slice %dma_start3A_408[%run_scoped3A, %dma_start3A_409, %dma_start3A_410] : memref<2x160x80xi32, #tpu.memory_space<hbm>> -> memref<1x160x80xi32, #tpu.memory_space<hbm>>
      %dma_start3A_412 = tpu.memref_squeeze %dma_start3A_411 : memref<1x160x80xi32, #tpu.memory_space<hbm>> -> memref<160x80xi32, #tpu.memory_space<hbm>>
      tpu.enqueue_dma source(%dma_start3A_412 : memref<160x80xi32, #tpu.memory_space<hbm>>) target(%arg5 : memref<160x80xi32, #tpu.memory_space<vmem>>) target_semaphore(%run_scoped3A_394 : memref<!tpu.dma_semaphore, #tpu.memory_space<semaphore_mem>>)
      %dma_wait3A_413 = arith.constant 0 : i32
      %dma_wait3A_414 = arith.constant 0 : i32
      %dma_wait3A_415 = arith.constant 0 : i32
      %dma_wait3A_416 = tpu.memref_slice %arg3[%add3A, %dma_wait3A_413, %dma_wait3A_414, %dma_wait3A_415] : memref<32x2x160x80xi32, #tpu.memory_space<hbm>> -> memref<1x2x160x80xi32, #tpu.memory_space<hbm>>
      %dma_wait3A_417 = tpu.memref_squeeze %dma_wait3A_416 : memref<1x2x160x80xi32, #tpu.memory_space<hbm>> -> memref<2x160x80xi32, #tpu.memory_space<hbm>>
      %dma_wait3A_418 = arith.constant 0 : i32
      %dma_wait3A_419 = arith.constant 0 : i32
      %dma_wait3A_420 = tpu.memref_slice %dma_wait3A_417[%run_scoped3A, %dma_wait3A_418, %dma_wait3A_419] : memref<2x160x80xi32, #tpu.memory_space<hbm>> -> memref<1x160x80xi32, #tpu.memory_space<hbm>>
      %dma_wait3A_421 = tpu.memref_squeeze %dma_wait3A_420 : memref<1x160x80xi32, #tpu.memory_space<hbm>> -> memref<160x80xi32, #tpu.memory_space<hbm>>
      %dma_wait3A_422 = arith.constant 0 : i32
      %dma_wait3A_423 = arith.constant 0 : i32
      %dma_wait3A_424 = arith.constant 0 : i32
      %dma_wait3A_425 = tpu.memref_slice %arg3[%add3A, %dma_wait3A_422, %dma_wait3A_423, %dma_wait3A_424] : memref<32x2x160x80xi32, #tpu.memory_space<hbm>> -> memref<1x2x160x80xi32, #tpu.memory_space<hbm>>
      %dma_wait3A_426 = tpu.memref_squeeze %dma_wait3A_425 : memref<1x2x160x80xi32, #tpu.memory_space<hbm>> -> memref<2x160x80xi32, #tpu.memory_space<hbm>>
      %dma_wait3A_427 = arith.constant 0 : i32
      %dma_wait3A_428 = arith.constant 0 : i32
      %dma_wait3A_429 = tpu.memref_slice %dma_wait3A_426[%run_scoped3A, %dma_wait3A_427, %dma_wait3A_428] : memref<2x160x80xi32, #tpu.memory_space<hbm>> -> memref<1x160x80xi32, #tpu.memory_space<hbm>>
      %dma_wait3A_430 = tpu.memref_squeeze %dma_wait3A_429 : memref<1x160x80xi32, #tpu.memory_space<hbm>> -> memref<160x80xi32, #tpu.memory_space<hbm>>
      tpu.wait_dma2 semaphore(%run_scoped3A_394 : memref<!tpu.dma_semaphore, #tpu.memory_space<semaphore_mem>>) src(%dma_wait3A_430 : memref<160x80xi32, #tpu.memory_space<hbm>>) dst(%arg5 : memref<160x80xi32, #tpu.memory_space<vmem>>)
      tpu.yield
    }) : () -> ()
    %dma_start3A = arith.constant 0 : i32
    %dma_start3A_16 = arith.constant 0 : i32
    %dma_start3A_17 = arith.constant 0 : i32
    %dma_start3A_18 = tpu.memref_slice %arg6[%dma_start3A_16, %dma_start3A_17] : memref<320x128xf32, #tpu.memory_space<vmem>> -> memref<80x128xf32, #tpu.memory_space<vmem>>
    %dma_start3A_19 = arith.constant 0 : i32
    %dma_start3A_20 = tpu.memref_slice %arg5[%dma_start3A, %dma_start3A_19] : memref<160x80xi32, #tpu.memory_space<vmem>> -> memref<1x80xi32, #tpu.memory_space<vmem>>
    %dma_start3A_21 = tpu.memref_squeeze %dma_start3A_20 : memref<1x80xi32, #tpu.memory_space<vmem>> -> memref<80xi32, #tpu.memory_space<vmem>>
    %dma_start3A_22 = arith.constant 0 : i32
    %dma_start3A_23 = arith.constant 0 : i32
    %dma_start3A_24 = tpu.memref_slice %arg7[%dma_start3A_22, %dma_start3A_23] : memref<8192x128xf32, #tpu.memory_space<vmem_shared>> -> memref<8192x128xf32, #tpu.memory_space<vmem_shared>>
    tpu.enqueue_indirect_dma source(%dma_start3A_24 : memref<8192x128xf32, #tpu.memory_space<vmem_shared>>) target(%dma_start3A_18 : memref<80x128xf32, #tpu.memory_space<vmem>>) offsets(%dma_start3A_21 : memref<80xi32, #tpu.memory_space<vmem>>) semaphore(%arg8 : memref<!tpu.dma_semaphore, #tpu.memory_space<semaphore_mem>>)
    %dma_start3A_25 = arith.constant 1 : i32
    %dma_start3A_26 = arith.constant 80 : i32
    %dma_start3A_27 = arith.constant 0 : i32
    %dma_start3A_28 = tpu.memref_slice %arg6[%dma_start3A_26, %dma_start3A_27] : memref<320x128xf32, #tpu.memory_space<vmem>> -> memref<80x128xf32, #tpu.memory_space<vmem>>
    %dma_start3A_29 = arith.constant 0 : i32
    %dma_start3A_30 = tpu.memref_slice %arg5[%dma_start3A_25, %dma_start3A_29] : memref<160x80xi32, #tpu.memory_space<vmem>> -> memref<1x80xi32, #tpu.memory_space<vmem>>
    %dma_start3A_31 = tpu.memref_squeeze %dma_start3A_30 : memref<1x80xi32, #tpu.memory_space<vmem>> -> memref<80xi32, #tpu.memory_space<vmem>>
    %dma_start3A_32 = arith.constant 0 : i32
    %dma_start3A_33 = arith.constant 0 : i32
    %dma_start3A_34 = tpu.memref_slice %arg7[%dma_start3A_32, %dma_start3A_33] : memref<8192x128xf32, #tpu.memory_space<vmem_shared>> -> memref<8192x128xf32, #tpu.memory_space<vmem_shared>>
    tpu.enqueue_indirect_dma source(%dma_start3A_34 : memref<8192x128xf32, #tpu.memory_space<vmem_shared>>) target(%dma_start3A_28 : memref<80x128xf32, #tpu.memory_space<vmem>>) offsets(%dma_start3A_31 : memref<80xi32, #tpu.memory_space<vmem>>) semaphore(%arg8 : memref<!tpu.dma_semaphore, #tpu.memory_space<semaphore_mem>>)
    %dma_start3A_35 = arith.constant 2 : i32
    %dma_start3A_36 = arith.constant 160 : i32
    %dma_start3A_37 = arith.constant 0 : i32
    %dma_start3A_38 = tpu.memref_slice %arg6[%dma_start3A_36, %dma_start3A_37] : memref<320x128xf32, #tpu.memory_space<vmem>> -> memref<80x128xf32, #tpu.memory_space<vmem>>
    %dma_start3A_39 = arith.constant 0 : i32
    %dma_start3A_40 = tpu.memref_slice %arg5[%dma_start3A_35, %dma_start3A_39] : memref<160x80xi32, #tpu.memory_space<vmem>> -> memref<1x80xi32, #tpu.memory_space<vmem>>
    %dma_start3A_41 = tpu.memref_squeeze %dma_start3A_40 : memref<1x80xi32, #tpu.memory_space<vmem>> -> memref<80xi32, #tpu.memory_space<vmem>>
    %dma_start3A_42 = arith.constant 0 : i32
    %dma_start3A_43 = arith.constant 0 : i32
    %dma_start3A_44 = tpu.memref_slice %arg7[%dma_start3A_42, %dma_start3A_43] : memref<8192x128xf32, #tpu.memory_space<vmem_shared>> -> memref<8192x128xf32, #tpu.memory_space<vmem_shared>>
    tpu.enqueue_indirect_dma source(%dma_start3A_44 : memref<8192x128xf32, #tpu.memory_space<vmem_shared>>) target(%dma_start3A_38 : memref<80x128xf32, #tpu.memory_space<vmem>>) offsets(%dma_start3A_41 : memref<80xi32, #tpu.memory_space<vmem>>) semaphore(%arg8 : memref<!tpu.dma_semaphore, #tpu.memory_space<semaphore_mem>>)
    %dma_start3A_45 = arith.constant 3 : i32
    %dma_start3A_46 = arith.constant 240 : i32
    %dma_start3A_47 = arith.constant 0 : i32
    %dma_start3A_48 = tpu.memref_slice %arg6[%dma_start3A_46, %dma_start3A_47] : memref<320x128xf32, #tpu.memory_space<vmem>> -> memref<80x128xf32, #tpu.memory_space<vmem>>
    %dma_start3A_49 = arith.constant 0 : i32
    %dma_start3A_50 = tpu.memref_slice %arg5[%dma_start3A_45, %dma_start3A_49] : memref<160x80xi32, #tpu.memory_space<vmem>> -> memref<1x80xi32, #tpu.memory_space<vmem>>
    %dma_start3A_51 = tpu.memref_squeeze %dma_start3A_50 : memref<1x80xi32, #tpu.memory_space<vmem>> -> memref<80xi32, #tpu.memory_space<vmem>>
    %dma_start3A_52 = arith.constant 0 : i32
    %dma_start3A_53 = arith.constant 0 : i32
    %dma_start3A_54 = tpu.memref_slice %arg7[%dma_start3A_52, %dma_start3A_53] : memref<8192x128xf32, #tpu.memory_space<vmem_shared>> -> memref<8192x128xf32, #tpu.memory_space<vmem_shared>>
    tpu.enqueue_indirect_dma source(%dma_start3A_54 : memref<8192x128xf32, #tpu.memory_space<vmem_shared>>) target(%dma_start3A_48 : memref<80x128xf32, #tpu.memory_space<vmem>>) offsets(%dma_start3A_51 : memref<80xi32, #tpu.memory_space<vmem>>) semaphore(%arg8 : memref<!tpu.dma_semaphore, #tpu.memory_space<semaphore_mem>>)
    %dma_wait3A = arith.constant 0 : i32
    %dma_wait3A_55 = arith.constant 0 : i32
    %dma_wait3A_56 = tpu.memref_slice %arg6[%dma_wait3A, %dma_wait3A_55] : memref<320x128xf32, #tpu.memory_space<vmem>> -> memref<80x128xf32, #tpu.memory_space<vmem>>
    %dma_wait3A_57 = arith.constant 0 : i32
    %dma_wait3A_58 = arith.constant 0 : i32
    %dma_wait3A_59 = tpu.memref_slice %arg7[%dma_wait3A_57, %dma_wait3A_58] : memref<8192x128xf32, #tpu.memory_space<vmem_shared>> -> memref<80x128xf32, #tpu.memory_space<vmem_shared>>
    %dma_wait3A_60 = arith.constant 0 : i32
    %dma_wait3A_61 = arith.constant 0 : i32
    %dma_wait3A_62 = tpu.memref_slice %arg6[%dma_wait3A_60, %dma_wait3A_61] : memref<320x128xf32, #tpu.memory_space<vmem>> -> memref<80x128xf32, #tpu.memory_space<vmem>>
    %dma_wait3A_63 = arith.constant 0 : i32
    %dma_wait3A_64 = arith.constant 0 : i32
    %dma_wait3A_65 = tpu.memref_slice %arg7[%dma_wait3A_63, %dma_wait3A_64] : memref<8192x128xf32, #tpu.memory_space<vmem_shared>> -> memref<80x128xf32, #tpu.memory_space<vmem_shared>>
    tpu.wait_dma2 semaphore(%arg8 : memref<!tpu.dma_semaphore, #tpu.memory_space<semaphore_mem>>) src(%dma_wait3A_65 : memref<80x128xf32, #tpu.memory_space<vmem_shared>>) dst(%dma_wait3A_62 : memref<80x128xf32, #tpu.memory_space<vmem>>)
    %add3A_66 = arith.constant 0 : i32
    %add3A_67 = arith.addi %mul3A_2, %add3A_66 : i32
    %dma_start3A_68 = arith.constant 0 : i32
    %dma_start3A_69 = arith.constant 0 : i32
    %dma_start3A_70 = tpu.memref_slice %arg6[%dma_start3A_68, %dma_start3A_69] : memref<320x128xf32, #tpu.memory_space<vmem>> -> memref<80x128xf32, #tpu.memory_space<vmem>>
    %dma_start3A_71 = arith.constant 0 : i32
    %dma_start3A_72 = tpu.memref_slice %arg4[%add3A_67, %dma_start3A_71] : memref<819200x128xf32, #tpu.memory_space<hbm>> -> memref<80x128xf32, #tpu.memory_space<hbm>>
    %dma_start3A_73 = arith.constant 0 : i32
    %dma_start3A_74 = tpu.memref_slice %arg4[%add3A_67, %dma_start3A_73] : memref<819200x128xf32, #tpu.memory_space<hbm>> -> memref<80x128xf32, #tpu.memory_space<hbm>>
    %dma_start3A_75 = arith.constant 0 : i32
    %dma_start3A_76 = arith.constant 0 : i32
    %dma_start3A_77 = tpu.memref_slice %arg6[%dma_start3A_75, %dma_start3A_76] : memref<320x128xf32, #tpu.memory_space<vmem>> -> memref<80x128xf32, #tpu.memory_space<vmem>>
    tpu.enqueue_dma source(%dma_start3A_77 : memref<80x128xf32, #tpu.memory_space<vmem>>) target(%dma_start3A_74 : memref<80x128xf32, #tpu.memory_space<hbm>>) target_semaphore(%arg9 : memref<!tpu.dma_semaphore, #tpu.memory_space<semaphore_mem>>)
    %dma_wait3A_78 = arith.constant 80 : i32
    %dma_wait3A_79 = arith.constant 0 : i32
    %dma_wait3A_80 = tpu.memref_slice %arg6[%dma_wait3A_78, %dma_wait3A_79] : memref<320x128xf32, #tpu.memory_space<vmem>> -> memref<80x128xf32, #tpu.memory_space<vmem>>
    %dma_wait3A_81 = arith.constant 0 : i32
    %dma_wait3A_82 = arith.constant 0 : i32
    %dma_wait3A_83 = tpu.memref_slice %arg7[%dma_wait3A_81, %dma_wait3A_82] : memref<8192x128xf32, #tpu.memory_space<vmem_shared>> -> memref<80x128xf32, #tpu.memory_space<vmem_shared>>
    %dma_wait3A_84 = arith.constant 80 : i32
    %dma_wait3A_85 = arith.constant 0 : i32
    %dma_wait3A_86 = tpu.memref_slice %arg6[%dma_wait3A_84, %dma_wait3A_85] : memref<320x128xf32, #tpu.memory_space<vmem>> -> memref<80x128xf32, #tpu.memory_space<vmem>>
    %dma_wait3A_87 = arith.constant 0 : i32
    %dma_wait3A_88 = arith.constant 0 : i32
    %dma_wait3A_89 = tpu.memref_slice %arg7[%dma_wait3A_87, %dma_wait3A_88] : memref<8192x128xf32, #tpu.memory_space<vmem_shared>> -> memref<80x128xf32, #tpu.memory_space<vmem_shared>>
    tpu.wait_dma2 semaphore(%arg8 : memref<!tpu.dma_semaphore, #tpu.memory_space<semaphore_mem>>) src(%dma_wait3A_89 : memref<80x128xf32, #tpu.memory_space<vmem_shared>>) dst(%dma_wait3A_86 : memref<80x128xf32, #tpu.memory_space<vmem>>)
    %add3A_90 = arith.constant 80 : i32
    %add3A_91 = arith.addi %mul3A_2, %add3A_90 : i32
    %dma_start3A_92 = arith.constant 80 : i32
    %dma_start3A_93 = arith.constant 0 : i32
    %dma_start3A_94 = tpu.memref_slice %arg6[%dma_start3A_92, %dma_start3A_93] : memref<320x128xf32, #tpu.memory_space<vmem>> -> memref<80x128xf32, #tpu.memory_space<vmem>>
    %dma_start3A_95 = arith.constant 0 : i32
    %dma_start3A_96 = tpu.memref_slice %arg4[%add3A_91, %dma_start3A_95] : memref<819200x128xf32, #tpu.memory_space<hbm>> -> memref<80x128xf32, #tpu.memory_space<hbm>>
    %dma_start3A_97 = arith.constant 0 : i32
    %dma_start3A_98 = tpu.memref_slice %arg4[%add3A_91, %dma_start3A_97] : memref<819200x128xf32, #tpu.memory_space<hbm>> -> memref<80x128xf32, #tpu.memory_space<hbm>>
    %dma_start3A_99 = arith.constant 80 : i32
    %dma_start3A_100 = arith.constant 0 : i32
    %dma_start3A_101 = tpu.memref_slice %arg6[%dma_start3A_99, %dma_start3A_100] : memref<320x128xf32, #tpu.memory_space<vmem>> -> memref<80x128xf32, #tpu.memory_space<vmem>>
    tpu.enqueue_dma source(%dma_start3A_101 : memref<80x128xf32, #tpu.memory_space<vmem>>) target(%dma_start3A_98 : memref<80x128xf32, #tpu.memory_space<hbm>>) target_semaphore(%arg9 : memref<!tpu.dma_semaphore, #tpu.memory_space<semaphore_mem>>)
    %dma_wait3A_102 = arith.constant 160 : i32
    %dma_wait3A_103 = arith.constant 0 : i32
    %dma_wait3A_104 = tpu.memref_slice %arg6[%dma_wait3A_102, %dma_wait3A_103] : memref<320x128xf32, #tpu.memory_space<vmem>> -> memref<80x128xf32, #tpu.memory_space<vmem>>
    %dma_wait3A_105 = arith.constant 0 : i32
    %dma_wait3A_106 = arith.constant 0 : i32
    %dma_wait3A_107 = tpu.memref_slice %arg7[%dma_wait3A_105, %dma_wait3A_106] : memref<8192x128xf32, #tpu.memory_space<vmem_shared>> -> memref<80x128xf32, #tpu.memory_space<vmem_shared>>
    %dma_wait3A_108 = arith.constant 160 : i32
    %dma_wait3A_109 = arith.constant 0 : i32
    %dma_wait3A_110 = tpu.memref_slice %arg6[%dma_wait3A_108, %dma_wait3A_109] : memref<320x128xf32, #tpu.memory_space<vmem>> -> memref<80x128xf32, #tpu.memory_space<vmem>>
    %dma_wait3A_111 = arith.constant 0 : i32
    %dma_wait3A_112 = arith.constant 0 : i32
    %dma_wait3A_113 = tpu.memref_slice %arg7[%dma_wait3A_111, %dma_wait3A_112] : memref<8192x128xf32, #tpu.memory_space<vmem_shared>> -> memref<80x128xf32, #tpu.memory_space<vmem_shared>>
    tpu.wait_dma2 semaphore(%arg8 : memref<!tpu.dma_semaphore, #tpu.memory_space<semaphore_mem>>) src(%dma_wait3A_113 : memref<80x128xf32, #tpu.memory_space<vmem_shared>>) dst(%dma_wait3A_110 : memref<80x128xf32, #tpu.memory_space<vmem>>)
    %add3A_114 = arith.constant 160 : i32
    %add3A_115 = arith.addi %mul3A_2, %add3A_114 : i32
    %dma_start3A_116 = arith.constant 160 : i32
    %dma_start3A_117 = arith.constant 0 : i32
    %dma_start3A_118 = tpu.memref_slice %arg6[%dma_start3A_116, %dma_start3A_117] : memref<320x128xf32, #tpu.memory_space<vmem>> -> memref<80x128xf32, #tpu.memory_space<vmem>>
    %dma_start3A_119 = arith.constant 0 : i32
    %dma_start3A_120 = tpu.memref_slice %arg4[%add3A_115, %dma_start3A_119] : memref<819200x128xf32, #tpu.memory_space<hbm>> -> memref<80x128xf32, #tpu.memory_space<hbm>>
    %dma_start3A_121 = arith.constant 0 : i32
    %dma_start3A_122 = tpu.memref_slice %arg4[%add3A_115, %dma_start3A_121] : memref<819200x128xf32, #tpu.memory_space<hbm>> -> memref<80x128xf32, #tpu.memory_space<hbm>>
    %dma_start3A_123 = arith.constant 160 : i32
    %dma_start3A_124 = arith.constant 0 : i32
    %dma_start3A_125 = tpu.memref_slice %arg6[%dma_start3A_123, %dma_start3A_124] : memref<320x128xf32, #tpu.memory_space<vmem>> -> memref<80x128xf32, #tpu.memory_space<vmem>>
    tpu.enqueue_dma source(%dma_start3A_125 : memref<80x128xf32, #tpu.memory_space<vmem>>) target(%dma_start3A_122 : memref<80x128xf32, #tpu.memory_space<hbm>>) target_semaphore(%arg9 : memref<!tpu.dma_semaphore, #tpu.memory_space<semaphore_mem>>)
    %dma_wait3A_126 = arith.constant 240 : i32
    %dma_wait3A_127 = arith.constant 0 : i32
    %dma_wait3A_128 = tpu.memref_slice %arg6[%dma_wait3A_126, %dma_wait3A_127] : memref<320x128xf32, #tpu.memory_space<vmem>> -> memref<80x128xf32, #tpu.memory_space<vmem>>
    %dma_wait3A_129 = arith.constant 0 : i32
    %dma_wait3A_130 = arith.constant 0 : i32
    %dma_wait3A_131 = tpu.memref_slice %arg7[%dma_wait3A_129, %dma_wait3A_130] : memref<8192x128xf32, #tpu.memory_space<vmem_shared>> -> memref<80x128xf32, #tpu.memory_space<vmem_shared>>
    %dma_wait3A_132 = arith.constant 240 : i32
    %dma_wait3A_133 = arith.constant 0 : i32
    %dma_wait3A_134 = tpu.memref_slice %arg6[%dma_wait3A_132, %dma_wait3A_133] : memref<320x128xf32, #tpu.memory_space<vmem>> -> memref<80x128xf32, #tpu.memory_space<vmem>>
    %dma_wait3A_135 = arith.constant 0 : i32
    %dma_wait3A_136 = arith.constant 0 : i32
    %dma_wait3A_137 = tpu.memref_slice %arg7[%dma_wait3A_135, %dma_wait3A_136] : memref<8192x128xf32, #tpu.memory_space<vmem_shared>> -> memref<80x128xf32, #tpu.memory_space<vmem_shared>>
    tpu.wait_dma2 semaphore(%arg8 : memref<!tpu.dma_semaphore, #tpu.memory_space<semaphore_mem>>) src(%dma_wait3A_137 : memref<80x128xf32, #tpu.memory_space<vmem_shared>>) dst(%dma_wait3A_134 : memref<80x128xf32, #tpu.memory_space<vmem>>)
    %add3A_138 = arith.constant 240 : i32
    %add3A_139 = arith.addi %mul3A_2, %add3A_138 : i32
    %dma_start3A_140 = arith.constant 240 : i32
    %dma_start3A_141 = arith.constant 0 : i32
    %dma_start3A_142 = tpu.memref_slice %arg6[%dma_start3A_140, %dma_start3A_141] : memref<320x128xf32, #tpu.memory_space<vmem>> -> memref<80x128xf32, #tpu.memory_space<vmem>>
    %dma_start3A_143 = arith.constant 0 : i32
    %dma_start3A_144 = tpu.memref_slice %arg4[%add3A_139, %dma_start3A_143] : memref<819200x128xf32, #tpu.memory_space<hbm>> -> memref<80x128xf32, #tpu.memory_space<hbm>>
    %dma_start3A_145 = arith.constant 0 : i32
    %dma_start3A_146 = tpu.memref_slice %arg4[%add3A_139, %dma_start3A_145] : memref<819200x128xf32, #tpu.memory_space<hbm>> -> memref<80x128xf32, #tpu.memory_space<hbm>>
    %dma_start3A_147 = arith.constant 240 : i32
    %dma_start3A_148 = arith.constant 0 : i32
    %dma_start3A_149 = tpu.memref_slice %arg6[%dma_start3A_147, %dma_start3A_148] : memref<320x128xf32, #tpu.memory_space<vmem>> -> memref<80x128xf32, #tpu.memory_space<vmem>>
    tpu.enqueue_dma source(%dma_start3A_149 : memref<80x128xf32, #tpu.memory_space<vmem>>) target(%dma_start3A_146 : memref<80x128xf32, #tpu.memory_space<hbm>>) target_semaphore(%arg9 : memref<!tpu.dma_semaphore, #tpu.memory_space<semaphore_mem>>)
    %scan3A = arith.constant 0 : i32
    %scan3A_150 = arith.constant 1 : i32
    %scan3A_151 = arith.constant 39 : i32
    %scan3A_152 = arith.addi %scan3A_150, %scan3A_151 : i32
    %scan3A_153 = arith.constant 1 : i32
    scf.for %scan3A_394 = %scan3A_150 to %scan3A_152 step %scan3A_153  : i32 {
      %mul3A_395 = arith.constant 4 : i32
      %mul3A_396 = arith.muli %scan3A_394, %mul3A_395 : i32
      %dma_wait3A_397 = arith.constant 0 : i32
      %dma_wait3A_398 = arith.constant 0 : i32
      %dma_wait3A_399 = tpu.memref_slice %arg6[%dma_wait3A_397, %dma_wait3A_398] : memref<320x128xf32, #tpu.memory_space<vmem>> -> memref<80x128xf32, #tpu.memory_space<vmem>>
      %dma_wait3A_400 = arith.constant 0 : i32
      %dma_wait3A_401 = arith.constant 0 : i32
      %dma_wait3A_402 = tpu.memref_slice %arg4[%dma_wait3A_400, %dma_wait3A_401] : memref<819200x128xf32, #tpu.memory_space<hbm>> -> memref<80x128xf32, #tpu.memory_space<hbm>>
      %dma_wait3A_403 = arith.constant 0 : i32
      %dma_wait3A_404 = arith.constant 0 : i32
      %dma_wait3A_405 = tpu.memref_slice %arg4[%dma_wait3A_403, %dma_wait3A_404] : memref<819200x128xf32, #tpu.memory_space<hbm>> -> memref<80x128xf32, #tpu.memory_space<hbm>>
      %dma_wait3A_406 = arith.constant 0 : i32
      %dma_wait3A_407 = arith.constant 0 : i32
      %dma_wait3A_408 = tpu.memref_slice %arg6[%dma_wait3A_406, %dma_wait3A_407] : memref<320x128xf32, #tpu.memory_space<vmem>> -> memref<80x128xf32, #tpu.memory_space<vmem>>
      tpu.wait_dma2 semaphore(%arg9 : memref<!tpu.dma_semaphore, #tpu.memory_space<semaphore_mem>>) src(%dma_wait3A_408 : memref<80x128xf32, #tpu.memory_space<vmem>>) dst(%dma_wait3A_405 : memref<80x128xf32, #tpu.memory_space<hbm>>)
      %add3A_409 = arith.constant 0 : i32
      %add3A_410 = arith.addi %mul3A_396, %add3A_409 : i32
      %dma_start3A_411 = arith.constant 0 : i32
      %dma_start3A_412 = arith.constant 0 : i32
      %dma_start3A_413 = tpu.memref_slice %arg6[%dma_start3A_411, %dma_start3A_412] : memref<320x128xf32, #tpu.memory_space<vmem>> -> memref<80x128xf32, #tpu.memory_space<vmem>>
      %dma_start3A_414 = arith.constant 0 : i32
      %dma_start3A_415 = tpu.memref_slice %arg5[%add3A_410, %dma_start3A_414] : memref<160x80xi32, #tpu.memory_space<vmem>> -> memref<1x80xi32, #tpu.memory_space<vmem>>
      %dma_start3A_416 = tpu.memref_squeeze %dma_start3A_415 : memref<1x80xi32, #tpu.memory_space<vmem>> -> memref<80xi32, #tpu.memory_space<vmem>>
      %dma_start3A_417 = arith.constant 0 : i32
      %dma_start3A_418 = arith.constant 0 : i32
      %dma_start3A_419 = tpu.memref_slice %arg7[%dma_start3A_417, %dma_start3A_418] : memref<8192x128xf32, #tpu.memory_space<vmem_shared>> -> memref<8192x128xf32, #tpu.memory_space<vmem_shared>>
      tpu.enqueue_indirect_dma source(%dma_start3A_419 : memref<8192x128xf32, #tpu.memory_space<vmem_shared>>) target(%dma_start3A_413 : memref<80x128xf32, #tpu.memory_space<vmem>>) offsets(%dma_start3A_416 : memref<80xi32, #tpu.memory_space<vmem>>) semaphore(%arg8 : memref<!tpu.dma_semaphore, #tpu.memory_space<semaphore_mem>>)
      %dma_wait3A_420 = arith.constant 80 : i32
      %dma_wait3A_421 = arith.constant 0 : i32
      %dma_wait3A_422 = tpu.memref_slice %arg6[%dma_wait3A_420, %dma_wait3A_421] : memref<320x128xf32, #tpu.memory_space<vmem>> -> memref<80x128xf32, #tpu.memory_space<vmem>>
      %dma_wait3A_423 = arith.constant 0 : i32
      %dma_wait3A_424 = arith.constant 0 : i32
      %dma_wait3A_425 = tpu.memref_slice %arg4[%dma_wait3A_423, %dma_wait3A_424] : memref<819200x128xf32, #tpu.memory_space<hbm>> -> memref<80x128xf32, #tpu.memory_space<hbm>>
      %dma_wait3A_426 = arith.constant 0 : i32
      %dma_wait3A_427 = arith.constant 0 : i32
      %dma_wait3A_428 = tpu.memref_slice %arg4[%dma_wait3A_426, %dma_wait3A_427] : memref<819200x128xf32, #tpu.memory_space<hbm>> -> memref<80x128xf32, #tpu.memory_space<hbm>>
      %dma_wait3A_429 = arith.constant 80 : i32
      %dma_wait3A_430 = arith.constant 0 : i32
      %dma_wait3A_431 = tpu.memref_slice %arg6[%dma_wait3A_429, %dma_wait3A_430] : memref<320x128xf32, #tpu.memory_space<vmem>> -> memref<80x128xf32, #tpu.memory_space<vmem>>
      tpu.wait_dma2 semaphore(%arg9 : memref<!tpu.dma_semaphore, #tpu.memory_space<semaphore_mem>>) src(%dma_wait3A_431 : memref<80x128xf32, #tpu.memory_space<vmem>>) dst(%dma_wait3A_428 : memref<80x128xf32, #tpu.memory_space<hbm>>)
      %add3A_432 = arith.constant 1 : i32
      %add3A_433 = arith.addi %mul3A_396, %add3A_432 : i32
      %dma_start3A_434 = arith.constant 80 : i32
      %dma_start3A_435 = arith.constant 0 : i32
      %dma_start3A_436 = tpu.memref_slice %arg6[%dma_start3A_434, %dma_start3A_435] : memref<320x128xf32, #tpu.memory_space<vmem>> -> memref<80x128xf32, #tpu.memory_space<vmem>>
      %dma_start3A_437 = arith.constant 0 : i32
      %dma_start3A_438 = tpu.memref_slice %arg5[%add3A_433, %dma_start3A_437] : memref<160x80xi32, #tpu.memory_space<vmem>> -> memref<1x80xi32, #tpu.memory_space<vmem>>
      %dma_start3A_439 = tpu.memref_squeeze %dma_start3A_438 : memref<1x80xi32, #tpu.memory_space<vmem>> -> memref<80xi32, #tpu.memory_space<vmem>>
      %dma_start3A_440 = arith.constant 0 : i32
      %dma_start3A_441 = arith.constant 0 : i32
      %dma_start3A_442 = tpu.memref_slice %arg7[%dma_start3A_440, %dma_start3A_441] : memref<8192x128xf32, #tpu.memory_space<vmem_shared>> -> memref<8192x128xf32, #tpu.memory_space<vmem_shared>>
      tpu.enqueue_indirect_dma source(%dma_start3A_442 : memref<8192x128xf32, #tpu.memory_space<vmem_shared>>) target(%dma_start3A_436 : memref<80x128xf32, #tpu.memory_space<vmem>>) offsets(%dma_start3A_439 : memref<80xi32, #tpu.memory_space<vmem>>) semaphore(%arg8 : memref<!tpu.dma_semaphore, #tpu.memory_space<semaphore_mem>>)
      %dma_wait3A_443 = arith.constant 160 : i32
      %dma_wait3A_444 = arith.constant 0 : i32
      %dma_wait3A_445 = tpu.memref_slice %arg6[%dma_wait3A_443, %dma_wait3A_444] : memref<320x128xf32, #tpu.memory_space<vmem>> -> memref<80x128xf32, #tpu.memory_space<vmem>>
      %dma_wait3A_446 = arith.constant 0 : i32
      %dma_wait3A_447 = arith.constant 0 : i32
      %dma_wait3A_448 = tpu.memref_slice %arg4[%dma_wait3A_446, %dma_wait3A_447] : memref<819200x128xf32, #tpu.memory_space<hbm>> -> memref<80x128xf32, #tpu.memory_space<hbm>>
      %dma_wait3A_449 = arith.constant 0 : i32
      %dma_wait3A_450 = arith.constant 0 : i32
      %dma_wait3A_451 = tpu.memref_slice %arg4[%dma_wait3A_449, %dma_wait3A_450] : memref<819200x128xf32, #tpu.memory_space<hbm>> -> memref<80x128xf32, #tpu.memory_space<hbm>>
      %dma_wait3A_452 = arith.constant 160 : i32
      %dma_wait3A_453 = arith.constant 0 : i32
      %dma_wait3A_454 = tpu.memref_slice %arg6[%dma_wait3A_452, %dma_wait3A_453] : memref<320x128xf32, #tpu.memory_space<vmem>> -> memref<80x128xf32, #tpu.memory_space<vmem>>
      tpu.wait_dma2 semaphore(%arg9 : memref<!tpu.dma_semaphore, #tpu.memory_space<semaphore_mem>>) src(%dma_wait3A_454 : memref<80x128xf32, #tpu.memory_space<vmem>>) dst(%dma_wait3A_451 : memref<80x128xf32, #tpu.memory_space<hbm>>)
      %add3A_455 = arith.constant 2 : i32
      %add3A_456 = arith.addi %mul3A_396, %add3A_455 : i32
      %dma_start3A_457 = arith.constant 160 : i32
      %dma_start3A_458 = arith.constant 0 : i32
      %dma_start3A_459 = tpu.memref_slice %arg6[%dma_start3A_457, %dma_start3A_458] : memref<320x128xf32, #tpu.memory_space<vmem>> -> memref<80x128xf32, #tpu.memory_space<vmem>>
      %dma_start3A_460 = arith.constant 0 : i32
      %dma_start3A_461 = tpu.memref_slice %arg5[%add3A_456, %dma_start3A_460] : memref<160x80xi32, #tpu.memory_space<vmem>> -> memref<1x80xi32, #tpu.memory_space<vmem>>
      %dma_start3A_462 = tpu.memref_squeeze %dma_start3A_461 : memref<1x80xi32, #tpu.memory_space<vmem>> -> memref<80xi32, #tpu.memory_space<vmem>>
      %dma_start3A_463 = arith.constant 0 : i32
      %dma_start3A_464 = arith.constant 0 : i32
      %dma_start3A_465 = tpu.memref_slice %arg7[%dma_start3A_463, %dma_start3A_464] : memref<8192x128xf32, #tpu.memory_space<vmem_shared>> -> memref<8192x128xf32, #tpu.memory_space<vmem_shared>>
      tpu.enqueue_indirect_dma source(%dma_start3A_465 : memref<8192x128xf32, #tpu.memory_space<vmem_shared>>) target(%dma_start3A_459 : memref<80x128xf32, #tpu.memory_space<vmem>>) offsets(%dma_start3A_462 : memref<80xi32, #tpu.memory_space<vmem>>) semaphore(%arg8 : memref<!tpu.dma_semaphore, #tpu.memory_space<semaphore_mem>>)
      %dma_wait3A_466 = arith.constant 240 : i32
      %dma_wait3A_467 = arith.constant 0 : i32
      %dma_wait3A_468 = tpu.memref_slice %arg6[%dma_wait3A_466, %dma_wait3A_467] : memref<320x128xf32, #tpu.memory_space<vmem>> -> memref<80x128xf32, #tpu.memory_space<vmem>>
      %dma_wait3A_469 = arith.constant 0 : i32
      %dma_wait3A_470 = arith.constant 0 : i32
      %dma_wait3A_471 = tpu.memref_slice %arg4[%dma_wait3A_469, %dma_wait3A_470] : memref<819200x128xf32, #tpu.memory_space<hbm>> -> memref<80x128xf32, #tpu.memory_space<hbm>>
      %dma_wait3A_472 = arith.constant 0 : i32
      %dma_wait3A_473 = arith.constant 0 : i32
      %dma_wait3A_474 = tpu.memref_slice %arg4[%dma_wait3A_472, %dma_wait3A_473] : memref<819200x128xf32, #tpu.memory_space<hbm>> -> memref<80x128xf32, #tpu.memory_space<hbm>>
      %dma_wait3A_475 = arith.constant 240 : i32
      %dma_wait3A_476 = arith.constant 0 : i32
      %dma_wait3A_477 = tpu.memref_slice %arg6[%dma_wait3A_475, %dma_wait3A_476] : memref<320x128xf32, #tpu.memory_space<vmem>> -> memref<80x128xf32, #tpu.memory_space<vmem>>
      tpu.wait_dma2 semaphore(%arg9 : memref<!tpu.dma_semaphore, #tpu.memory_space<semaphore_mem>>) src(%dma_wait3A_477 : memref<80x128xf32, #tpu.memory_space<vmem>>) dst(%dma_wait3A_474 : memref<80x128xf32, #tpu.memory_space<hbm>>)
      %add3A_478 = arith.constant 3 : i32
      %add3A_479 = arith.addi %mul3A_396, %add3A_478 : i32
      %dma_start3A_480 = arith.constant 240 : i32
      %dma_start3A_481 = arith.constant 0 : i32
      %dma_start3A_482 = tpu.memref_slice %arg6[%dma_start3A_480, %dma_start3A_481] : memref<320x128xf32, #tpu.memory_space<vmem>> -> memref<80x128xf32, #tpu.memory_space<vmem>>
      %dma_start3A_483 = arith.constant 0 : i32
      %dma_start3A_484 = tpu.memref_slice %arg5[%add3A_479, %dma_start3A_483] : memref<160x80xi32, #tpu.memory_space<vmem>> -> memref<1x80xi32, #tpu.memory_space<vmem>>
      %dma_start3A_485 = tpu.memref_squeeze %dma_start3A_484 : memref<1x80xi32, #tpu.memory_space<vmem>> -> memref<80xi32, #tpu.memory_space<vmem>>
      %dma_start3A_486 = arith.constant 0 : i32
      %dma_start3A_487 = arith.constant 0 : i32
      %dma_start3A_488 = tpu.memref_slice %arg7[%dma_start3A_486, %dma_start3A_487] : memref<8192x128xf32, #tpu.memory_space<vmem_shared>> -> memref<8192x128xf32, #tpu.memory_space<vmem_shared>>
      tpu.enqueue_indirect_dma source(%dma_start3A_488 : memref<8192x128xf32, #tpu.memory_space<vmem_shared>>) target(%dma_start3A_482 : memref<80x128xf32, #tpu.memory_space<vmem>>) offsets(%dma_start3A_485 : memref<80xi32, #tpu.memory_space<vmem>>) semaphore(%arg8 : memref<!tpu.dma_semaphore, #tpu.memory_space<semaphore_mem>>)
      %dma_wait3A_489 = arith.constant 0 : i32
      %dma_wait3A_490 = arith.constant 0 : i32
      %dma_wait3A_491 = tpu.memref_slice %arg6[%dma_wait3A_489, %dma_wait3A_490] : memref<320x128xf32, #tpu.memory_space<vmem>> -> memref<80x128xf32, #tpu.memory_space<vmem>>
      %dma_wait3A_492 = arith.constant 0 : i32
      %dma_wait3A_493 = arith.constant 0 : i32
      %dma_wait3A_494 = tpu.memref_slice %arg7[%dma_wait3A_492, %dma_wait3A_493] : memref<8192x128xf32, #tpu.memory_space<vmem_shared>> -> memref<80x128xf32, #tpu.memory_space<vmem_shared>>
      %dma_wait3A_495 = arith.constant 0 : i32
      %dma_wait3A_496 = arith.constant 0 : i32
      %dma_wait3A_497 = tpu.memref_slice %arg6[%dma_wait3A_495, %dma_wait3A_496] : memref<320x128xf32, #tpu.memory_space<vmem>> -> memref<80x128xf32, #tpu.memory_space<vmem>>
      %dma_wait3A_498 = arith.constant 0 : i32
      %dma_wait3A_499 = arith.constant 0 : i32
      %dma_wait3A_500 = tpu.memref_slice %arg7[%dma_wait3A_498, %dma_wait3A_499] : memref<8192x128xf32, #tpu.memory_space<vmem_shared>> -> memref<80x128xf32, #tpu.memory_space<vmem_shared>>
      tpu.wait_dma2 semaphore(%arg8 : memref<!tpu.dma_semaphore, #tpu.memory_space<semaphore_mem>>) src(%dma_wait3A_500 : memref<80x128xf32, #tpu.memory_space<vmem_shared>>) dst(%dma_wait3A_497 : memref<80x128xf32, #tpu.memory_space<vmem>>)
      %add3A_501 = arith.constant 0 : i32
      %add3A_502 = arith.addi %add3A_501, %mul3A_396 : i32
      %add3A_503 = arith.constant 0 : i32
      %add3A_504 = arith.addi %add3A_502, %add3A_503 : i32
      %mul3A_505 = arith.constant 80 : i32
      %mul3A_506 = arith.muli %add3A_504, %mul3A_505 : i32
      %add3A_507 = arith.addi %mul3A_2, %mul3A_506 : i32
      %dma_start3A_508 = arith.constant 0 : i32
      %dma_start3A_509 = arith.constant 0 : i32
      %dma_start3A_510 = tpu.memref_slice %arg6[%dma_start3A_508, %dma_start3A_509] : memref<320x128xf32, #tpu.memory_space<vmem>> -> memref<80x128xf32, #tpu.memory_space<vmem>>
      %dma_start3A_511 = arith.constant 0 : i32
      %dma_start3A_512 = tpu.memref_slice %arg4[%add3A_507, %dma_start3A_511] : memref<819200x128xf32, #tpu.memory_space<hbm>> -> memref<80x128xf32, #tpu.memory_space<hbm>>
      %dma_start3A_513 = arith.constant 0 : i32
      %dma_start3A_514 = tpu.memref_slice %arg4[%add3A_507, %dma_start3A_513] : memref<819200x128xf32, #tpu.memory_space<hbm>> -> memref<80x128xf32, #tpu.memory_space<hbm>>
      %dma_start3A_515 = arith.constant 0 : i32
      %dma_start3A_516 = arith.constant 0 : i32
      %dma_start3A_517 = tpu.memref_slice %arg6[%dma_start3A_515, %dma_start3A_516] : memref<320x128xf32, #tpu.memory_space<vmem>> -> memref<80x128xf32, #tpu.memory_space<vmem>>
      tpu.enqueue_dma source(%dma_start3A_517 : memref<80x128xf32, #tpu.memory_space<vmem>>) target(%dma_start3A_514 : memref<80x128xf32, #tpu.memory_space<hbm>>) target_semaphore(%arg9 : memref<!tpu.dma_semaphore, #tpu.memory_space<semaphore_mem>>)
      %dma_wait3A_518 = arith.constant 80 : i32
      %dma_wait3A_519 = arith.constant 0 : i32
      %dma_wait3A_520 = tpu.memref_slice %arg6[%dma_wait3A_518, %dma_wait3A_519] : memref<320x128xf32, #tpu.memory_space<vmem>> -> memref<80x128xf32, #tpu.memory_space<vmem>>
      %dma_wait3A_521 = arith.constant 0 : i32
      %dma_wait3A_522 = arith.constant 0 : i32
      %dma_wait3A_523 = tpu.memref_slice %arg7[%dma_wait3A_521, %dma_wait3A_522] : memref<8192x128xf32, #tpu.memory_space<vmem_shared>> -> memref<80x128xf32, #tpu.memory_space<vmem_shared>>
      %dma_wait3A_524 = arith.constant 80 : i32
      %dma_wait3A_525 = arith.constant 0 : i32
      %dma_wait3A_526 = tpu.memref_slice %arg6[%dma_wait3A_524, %dma_wait3A_525] : memref<320x128xf32, #tpu.memory_space<vmem>> -> memref<80x128xf32, #tpu.memory_space<vmem>>
      %dma_wait3A_527 = arith.constant 0 : i32
      %dma_wait3A_528 = arith.constant 0 : i32
      %dma_wait3A_529 = tpu.memref_slice %arg7[%dma_wait3A_527, %dma_wait3A_528] : memref<8192x128xf32, #tpu.memory_space<vmem_shared>> -> memref<80x128xf32, #tpu.memory_space<vmem_shared>>
      tpu.wait_dma2 semaphore(%arg8 : memref<!tpu.dma_semaphore, #tpu.memory_space<semaphore_mem>>) src(%dma_wait3A_529 : memref<80x128xf32, #tpu.memory_space<vmem_shared>>) dst(%dma_wait3A_526 : memref<80x128xf32, #tpu.memory_space<vmem>>)
      %add3A_530 = arith.constant 0 : i32
      %add3A_531 = arith.addi %add3A_530, %mul3A_396 : i32
      %add3A_532 = arith.constant 1 : i32
      %add3A_533 = arith.addi %add3A_531, %add3A_532 : i32
      %mul3A_534 = arith.constant 80 : i32
      %mul3A_535 = arith.muli %add3A_533, %mul3A_534 : i32
      %add3A_536 = arith.addi %mul3A_2, %mul3A_535 : i32
      %dma_start3A_537 = arith.constant 80 : i32
      %dma_start3A_538 = arith.constant 0 : i32
      %dma_start3A_539 = tpu.memref_slice %arg6[%dma_start3A_537, %dma_start3A_538] : memref<320x128xf32, #tpu.memory_space<vmem>> -> memref<80x128xf32, #tpu.memory_space<vmem>>
      %dma_start3A_540 = arith.constant 0 : i32
      %dma_start3A_541 = tpu.memref_slice %arg4[%add3A_536, %dma_start3A_540] : memref<819200x128xf32, #tpu.memory_space<hbm>> -> memref<80x128xf32, #tpu.memory_space<hbm>>
      %dma_start3A_542 = arith.constant 0 : i32
      %dma_start3A_543 = tpu.memref_slice %arg4[%add3A_536, %dma_start3A_542] : memref<819200x128xf32, #tpu.memory_space<hbm>> -> memref<80x128xf32, #tpu.memory_space<hbm>>
      %dma_start3A_544 = arith.constant 80 : i32
      %dma_start3A_545 = arith.constant 0 : i32
      %dma_start3A_546 = tpu.memref_slice %arg6[%dma_start3A_544, %dma_start3A_545] : memref<320x128xf32, #tpu.memory_space<vmem>> -> memref<80x128xf32, #tpu.memory_space<vmem>>
      tpu.enqueue_dma source(%dma_start3A_546 : memref<80x128xf32, #tpu.memory_space<vmem>>) target(%dma_start3A_543 : memref<80x128xf32, #tpu.memory_space<hbm>>) target_semaphore(%arg9 : memref<!tpu.dma_semaphore, #tpu.memory_space<semaphore_mem>>)
      %dma_wait3A_547 = arith.constant 160 : i32
      %dma_wait3A_548 = arith.constant 0 : i32
      %dma_wait3A_549 = tpu.memref_slice %arg6[%dma_wait3A_547, %dma_wait3A_548] : memref<320x128xf32, #tpu.memory_space<vmem>> -> memref<80x128xf32, #tpu.memory_space<vmem>>
      %dma_wait3A_550 = arith.constant 0 : i32
      %dma_wait3A_551 = arith.constant 0 : i32
      %dma_wait3A_552 = tpu.memref_slice %arg7[%dma_wait3A_550, %dma_wait3A_551] : memref<8192x128xf32, #tpu.memory_space<vmem_shared>> -> memref<80x128xf32, #tpu.memory_space<vmem_shared>>
      %dma_wait3A_553 = arith.constant 160 : i32
      %dma_wait3A_554 = arith.constant 0 : i32
      %dma_wait3A_555 = tpu.memref_slice %arg6[%dma_wait3A_553, %dma_wait3A_554] : memref<320x128xf32, #tpu.memory_space<vmem>> -> memref<80x128xf32, #tpu.memory_space<vmem>>
      %dma_wait3A_556 = arith.constant 0 : i32
      %dma_wait3A_557 = arith.constant 0 : i32
      %dma_wait3A_558 = tpu.memref_slice %arg7[%dma_wait3A_556, %dma_wait3A_557] : memref<8192x128xf32, #tpu.memory_space<vmem_shared>> -> memref<80x128xf32, #tpu.memory_space<vmem_shared>>
      tpu.wait_dma2 semaphore(%arg8 : memref<!tpu.dma_semaphore, #tpu.memory_space<semaphore_mem>>) src(%dma_wait3A_558 : memref<80x128xf32, #tpu.memory_space<vmem_shared>>) dst(%dma_wait3A_555 : memref<80x128xf32, #tpu.memory_space<vmem>>)
      %add3A_559 = arith.constant 0 : i32
      %add3A_560 = arith.addi %add3A_559, %mul3A_396 : i32
      %add3A_561 = arith.constant 2 : i32
      %add3A_562 = arith.addi %add3A_560, %add3A_561 : i32
      %mul3A_563 = arith.constant 80 : i32
      %mul3A_564 = arith.muli %add3A_562, %mul3A_563 : i32
      %add3A_565 = arith.addi %mul3A_2, %mul3A_564 : i32
      %dma_start3A_566 = arith.constant 160 : i32
      %dma_start3A_567 = arith.constant 0 : i32
      %dma_start3A_568 = tpu.memref_slice %arg6[%dma_start3A_566, %dma_start3A_567] : memref<320x128xf32, #tpu.memory_space<vmem>> -> memref<80x128xf32, #tpu.memory_space<vmem>>
      %dma_start3A_569 = arith.constant 0 : i32
      %dma_start3A_570 = tpu.memref_slice %arg4[%add3A_565, %dma_start3A_569] : memref<819200x128xf32, #tpu.memory_space<hbm>> -> memref<80x128xf32, #tpu.memory_space<hbm>>
      %dma_start3A_571 = arith.constant 0 : i32
      %dma_start3A_572 = tpu.memref_slice %arg4[%add3A_565, %dma_start3A_571] : memref<819200x128xf32, #tpu.memory_space<hbm>> -> memref<80x128xf32, #tpu.memory_space<hbm>>
      %dma_start3A_573 = arith.constant 160 : i32
      %dma_start3A_574 = arith.constant 0 : i32
      %dma_start3A_575 = tpu.memref_slice %arg6[%dma_start3A_573, %dma_start3A_574] : memref<320x128xf32, #tpu.memory_space<vmem>> -> memref<80x128xf32, #tpu.memory_space<vmem>>
      tpu.enqueue_dma source(%dma_start3A_575 : memref<80x128xf32, #tpu.memory_space<vmem>>) target(%dma_start3A_572 : memref<80x128xf32, #tpu.memory_space<hbm>>) target_semaphore(%arg9 : memref<!tpu.dma_semaphore, #tpu.memory_space<semaphore_mem>>)
      %dma_wait3A_576 = arith.constant 240 : i32
      %dma_wait3A_577 = arith.constant 0 : i32
      %dma_wait3A_578 = tpu.memref_slice %arg6[%dma_wait3A_576, %dma_wait3A_577] : memref<320x128xf32, #tpu.memory_space<vmem>> -> memref<80x128xf32, #tpu.memory_space<vmem>>
      %dma_wait3A_579 = arith.constant 0 : i32
      %dma_wait3A_580 = arith.constant 0 : i32
      %dma_wait3A_581 = tpu.memref_slice %arg7[%dma_wait3A_579, %dma_wait3A_580] : memref<8192x128xf32, #tpu.memory_space<vmem_shared>> -> memref<80x128xf32, #tpu.memory_space<vmem_shared>>
      %dma_wait3A_582 = arith.constant 240 : i32
      %dma_wait3A_583 = arith.constant 0 : i32
      %dma_wait3A_584 = tpu.memref_slice %arg6[%dma_wait3A_582, %dma_wait3A_583] : memref<320x128xf32, #tpu.memory_space<vmem>> -> memref<80x128xf32, #tpu.memory_space<vmem>>
      %dma_wait3A_585 = arith.constant 0 : i32
      %dma_wait3A_586 = arith.constant 0 : i32
      %dma_wait3A_587 = tpu.memref_slice %arg7[%dma_wait3A_585, %dma_wait3A_586] : memref<8192x128xf32, #tpu.memory_space<vmem_shared>> -> memref<80x128xf32, #tpu.memory_space<vmem_shared>>
      tpu.wait_dma2 semaphore(%arg8 : memref<!tpu.dma_semaphore, #tpu.memory_space<semaphore_mem>>) src(%dma_wait3A_587 : memref<80x128xf32, #tpu.memory_space<vmem_shared>>) dst(%dma_wait3A_584 : memref<80x128xf32, #tpu.memory_space<vmem>>)
      %add3A_588 = arith.constant 0 : i32
      %add3A_589 = arith.addi %add3A_588, %mul3A_396 : i32
      %add3A_590 = arith.constant 3 : i32
      %add3A_591 = arith.addi %add3A_589, %add3A_590 : i32
      %mul3A_592 = arith.constant 80 : i32
      %mul3A_593 = arith.muli %add3A_591, %mul3A_592 : i32
      %add3A_594 = arith.addi %mul3A_2, %mul3A_593 : i32
      %dma_start3A_595 = arith.constant 240 : i32
      %dma_start3A_596 = arith.constant 0 : i32
      %dma_start3A_597 = tpu.memref_slice %arg6[%dma_start3A_595, %dma_start3A_596] : memref<320x128xf32, #tpu.memory_space<vmem>> -> memref<80x128xf32, #tpu.memory_space<vmem>>
      %dma_start3A_598 = arith.constant 0 : i32
      %dma_start3A_599 = tpu.memref_slice %arg4[%add3A_594, %dma_start3A_598] : memref<819200x128xf32, #tpu.memory_space<hbm>> -> memref<80x128xf32, #tpu.memory_space<hbm>>
      %dma_start3A_600 = arith.constant 0 : i32
      %dma_start3A_601 = tpu.memref_slice %arg4[%add3A_594, %dma_start3A_600] : memref<819200x128xf32, #tpu.memory_space<hbm>> -> memref<80x128xf32, #tpu.memory_space<hbm>>
      %dma_start3A_602 = arith.constant 240 : i32
      %dma_start3A_603 = arith.constant 0 : i32
      %dma_start3A_604 = tpu.memref_slice %arg6[%dma_start3A_602, %dma_start3A_603] : memref<320x128xf32, #tpu.memory_space<vmem>> -> memref<80x128xf32, #tpu.memory_space<vmem>>
      tpu.enqueue_dma source(%dma_start3A_604 : memref<80x128xf32, #tpu.memory_space<vmem>>) target(%dma_start3A_601 : memref<80x128xf32, #tpu.memory_space<hbm>>) target_semaphore(%arg9 : memref<!tpu.dma_semaphore, #tpu.memory_space<semaphore_mem>>)
    }
    %scan3A_154 = arith.constant 39 : i32
    %run_scoped3A_155 = arith.constant 1 : i32
    "tpu.region"() ({
      %run_scoped3A_394 = tpu.sem_alloc : memref<!tpu.dma_semaphore, #tpu.memory_space<semaphore_mem>>
      %dma_start3A_395 = arith.constant 0 : i32
      %dma_start3A_396 = arith.constant 0 : i32
      %dma_start3A_397 = arith.constant 0 : i32
      %dma_start3A_398 = tpu.memref_slice %arg3[%add3A, %dma_start3A_395, %dma_start3A_396, %dma_start3A_397] : memref<32x2x160x80xi32, #tpu.memory_space<hbm>> -> memref<1x2x160x80xi32, #tpu.memory_space<hbm>>
      %dma_start3A_399 = tpu.memref_squeeze %dma_start3A_398 : memref<1x2x160x80xi32, #tpu.memory_space<hbm>> -> memref<2x160x80xi32, #tpu.memory_space<hbm>>
      %dma_start3A_400 = arith.constant 0 : i32
      %dma_start3A_401 = arith.constant 0 : i32
      %dma_start3A_402 = tpu.memref_slice %dma_start3A_399[%run_scoped3A_155, %dma_start3A_400, %dma_start3A_401] : memref<2x160x80xi32, #tpu.memory_space<hbm>> -> memref<1x160x80xi32, #tpu.memory_space<hbm>>
      %dma_start3A_403 = tpu.memref_squeeze %dma_start3A_402 : memref<1x160x80xi32, #tpu.memory_space<hbm>> -> memref<160x80xi32, #tpu.memory_space<hbm>>
      %dma_start3A_404 = arith.constant 0 : i32
      %dma_start3A_405 = arith.constant 0 : i32
      %dma_start3A_406 = arith.constant 0 : i32
      %dma_start3A_407 = tpu.memref_slice %arg3[%add3A, %dma_start3A_404, %dma_start3A_405, %dma_start3A_406] : memref<32x2x160x80xi32, #tpu.memory_space<hbm>> -> memref<1x2x160x80xi32, #tpu.memory_space<hbm>>
      %dma_start3A_408 = tpu.memref_squeeze %dma_start3A_407 : memref<1x2x160x80xi32, #tpu.memory_space<hbm>> -> memref<2x160x80xi32, #tpu.memory_space<hbm>>
      %dma_start3A_409 = arith.constant 0 : i32
      %dma_start3A_410 = arith.constant 0 : i32
      %dma_start3A_411 = tpu.memref_slice %dma_start3A_408[%run_scoped3A_155, %dma_start3A_409, %dma_start3A_410] : memref<2x160x80xi32, #tpu.memory_space<hbm>> -> memref<1x160x80xi32, #tpu.memory_space<hbm>>
      %dma_start3A_412 = tpu.memref_squeeze %dma_start3A_411 : memref<1x160x80xi32, #tpu.memory_space<hbm>> -> memref<160x80xi32, #tpu.memory_space<hbm>>
      tpu.enqueue_dma source(%dma_start3A_412 : memref<160x80xi32, #tpu.memory_space<hbm>>) target(%arg5 : memref<160x80xi32, #tpu.memory_space<vmem>>) target_semaphore(%run_scoped3A_394 : memref<!tpu.dma_semaphore, #tpu.memory_space<semaphore_mem>>)
      %dma_wait3A_413 = arith.constant 0 : i32
      %dma_wait3A_414 = arith.constant 0 : i32
      %dma_wait3A_415 = arith.constant 0 : i32
      %dma_wait3A_416 = tpu.memref_slice %arg3[%add3A, %dma_wait3A_413, %dma_wait3A_414, %dma_wait3A_415] : memref<32x2x160x80xi32, #tpu.memory_space<hbm>> -> memref<1x2x160x80xi32, #tpu.memory_space<hbm>>
      %dma_wait3A_417 = tpu.memref_squeeze %dma_wait3A_416 : memref<1x2x160x80xi32, #tpu.memory_space<hbm>> -> memref<2x160x80xi32, #tpu.memory_space<hbm>>
      %dma_wait3A_418 = arith.constant 0 : i32
      %dma_wait3A_419 = arith.constant 0 : i32
      %dma_wait3A_420 = tpu.memref_slice %dma_wait3A_417[%run_scoped3A_155, %dma_wait3A_418, %dma_wait3A_419] : memref<2x160x80xi32, #tpu.memory_space<hbm>> -> memref<1x160x80xi32, #tpu.memory_space<hbm>>
      %dma_wait3A_421 = tpu.memref_squeeze %dma_wait3A_420 : memref<1x160x80xi32, #tpu.memory_space<hbm>> -> memref<160x80xi32, #tpu.memory_space<hbm>>
      %dma_wait3A_422 = arith.constant 0 : i32
      %dma_wait3A_423 = arith.constant 0 : i32
      %dma_wait3A_424 = arith.constant 0 : i32
      %dma_wait3A_425 = tpu.memref_slice %arg3[%add3A, %dma_wait3A_422, %dma_wait3A_423, %dma_wait3A_424] : memref<32x2x160x80xi32, #tpu.memory_space<hbm>> -> memref<1x2x160x80xi32, #tpu.memory_space<hbm>>
      %dma_wait3A_426 = tpu.memref_squeeze %dma_wait3A_425 : memref<1x2x160x80xi32, #tpu.memory_space<hbm>> -> memref<2x160x80xi32, #tpu.memory_space<hbm>>
      %dma_wait3A_427 = arith.constant 0 : i32
      %dma_wait3A_428 = arith.constant 0 : i32
      %dma_wait3A_429 = tpu.memref_slice %dma_wait3A_426[%run_scoped3A_155, %dma_wait3A_427, %dma_wait3A_428] : memref<2x160x80xi32, #tpu.memory_space<hbm>> -> memref<1x160x80xi32, #tpu.memory_space<hbm>>
      %dma_wait3A_430 = tpu.memref_squeeze %dma_wait3A_429 : memref<1x160x80xi32, #tpu.memory_space<hbm>> -> memref<160x80xi32, #tpu.memory_space<hbm>>
      tpu.wait_dma2 semaphore(%run_scoped3A_394 : memref<!tpu.dma_semaphore, #tpu.memory_space<semaphore_mem>>) src(%dma_wait3A_430 : memref<160x80xi32, #tpu.memory_space<hbm>>) dst(%arg5 : memref<160x80xi32, #tpu.memory_space<vmem>>)
      tpu.yield
    }) : () -> ()
    %dma_wait3A_156 = arith.constant 0 : i32
    %dma_wait3A_157 = arith.constant 0 : i32
    %dma_wait3A_158 = tpu.memref_slice %arg6[%dma_wait3A_156, %dma_wait3A_157] : memref<320x128xf32, #tpu.memory_space<vmem>> -> memref<80x128xf32, #tpu.memory_space<vmem>>
    %dma_wait3A_159 = arith.constant 0 : i32
    %dma_wait3A_160 = arith.constant 0 : i32
    %dma_wait3A_161 = tpu.memref_slice %arg4[%dma_wait3A_159, %dma_wait3A_160] : memref<819200x128xf32, #tpu.memory_space<hbm>> -> memref<80x128xf32, #tpu.memory_space<hbm>>
    %dma_wait3A_162 = arith.constant 0 : i32
    %dma_wait3A_163 = arith.constant 0 : i32
    %dma_wait3A_164 = tpu.memref_slice %arg4[%dma_wait3A_162, %dma_wait3A_163] : memref<819200x128xf32, #tpu.memory_space<hbm>> -> memref<80x128xf32, #tpu.memory_space<hbm>>
    %dma_wait3A_165 = arith.constant 0 : i32
    %dma_wait3A_166 = arith.constant 0 : i32
    %dma_wait3A_167 = tpu.memref_slice %arg6[%dma_wait3A_165, %dma_wait3A_166] : memref<320x128xf32, #tpu.memory_space<vmem>> -> memref<80x128xf32, #tpu.memory_space<vmem>>
    tpu.wait_dma2 semaphore(%arg9 : memref<!tpu.dma_semaphore, #tpu.memory_space<semaphore_mem>>) src(%dma_wait3A_167 : memref<80x128xf32, #tpu.memory_space<vmem>>) dst(%dma_wait3A_164 : memref<80x128xf32, #tpu.memory_space<hbm>>)
    %dma_start3A_168 = arith.constant 0 : i32
    %dma_start3A_169 = arith.constant 0 : i32
    %dma_start3A_170 = arith.constant 0 : i32
    %dma_start3A_171 = tpu.memref_slice %arg6[%dma_start3A_169, %dma_start3A_170] : memref<320x128xf32, #tpu.memory_space<vmem>> -> memref<80x128xf32, #tpu.memory_space<vmem>>
    %dma_start3A_172 = arith.constant 0 : i32
    %dma_start3A_173 = tpu.memref_slice %arg5[%dma_start3A_168, %dma_start3A_172] : memref<160x80xi32, #tpu.memory_space<vmem>> -> memref<1x80xi32, #tpu.memory_space<vmem>>
    %dma_start3A_174 = tpu.memref_squeeze %dma_start3A_173 : memref<1x80xi32, #tpu.memory_space<vmem>> -> memref<80xi32, #tpu.memory_space<vmem>>
    %dma_start3A_175 = arith.constant 0 : i32
    %dma_start3A_176 = arith.constant 0 : i32
    %dma_start3A_177 = tpu.memref_slice %arg7[%dma_start3A_175, %dma_start3A_176] : memref<8192x128xf32, #tpu.memory_space<vmem_shared>> -> memref<8192x128xf32, #tpu.memory_space<vmem_shared>>
    tpu.enqueue_indirect_dma source(%dma_start3A_177 : memref<8192x128xf32, #tpu.memory_space<vmem_shared>>) target(%dma_start3A_171 : memref<80x128xf32, #tpu.memory_space<vmem>>) offsets(%dma_start3A_174 : memref<80xi32, #tpu.memory_space<vmem>>) semaphore(%arg8 : memref<!tpu.dma_semaphore, #tpu.memory_space<semaphore_mem>>)
    %dma_wait3A_178 = arith.constant 80 : i32
    %dma_wait3A_179 = arith.constant 0 : i32
    %dma_wait3A_180 = tpu.memref_slice %arg6[%dma_wait3A_178, %dma_wait3A_179] : memref<320x128xf32, #tpu.memory_space<vmem>> -> memref<80x128xf32, #tpu.memory_space<vmem>>
    %dma_wait3A_181 = arith.constant 0 : i32
    %dma_wait3A_182 = arith.constant 0 : i32
    %dma_wait3A_183 = tpu.memref_slice %arg4[%dma_wait3A_181, %dma_wait3A_182] : memref<819200x128xf32, #tpu.memory_space<hbm>> -> memref<80x128xf32, #tpu.memory_space<hbm>>
    %dma_wait3A_184 = arith.constant 0 : i32
    %dma_wait3A_185 = arith.constant 0 : i32
    %dma_wait3A_186 = tpu.memref_slice %arg4[%dma_wait3A_184, %dma_wait3A_185] : memref<819200x128xf32, #tpu.memory_space<hbm>> -> memref<80x128xf32, #tpu.memory_space<hbm>>
    %dma_wait3A_187 = arith.constant 80 : i32
    %dma_wait3A_188 = arith.constant 0 : i32
    %dma_wait3A_189 = tpu.memref_slice %arg6[%dma_wait3A_187, %dma_wait3A_188] : memref<320x128xf32, #tpu.memory_space<vmem>> -> memref<80x128xf32, #tpu.memory_space<vmem>>
    tpu.wait_dma2 semaphore(%arg9 : memref<!tpu.dma_semaphore, #tpu.memory_space<semaphore_mem>>) src(%dma_wait3A_189 : memref<80x128xf32, #tpu.memory_space<vmem>>) dst(%dma_wait3A_186 : memref<80x128xf32, #tpu.memory_space<hbm>>)
    %dma_start3A_190 = arith.constant 1 : i32
    %dma_start3A_191 = arith.constant 80 : i32
    %dma_start3A_192 = arith.constant 0 : i32
    %dma_start3A_193 = tpu.memref_slice %arg6[%dma_start3A_191, %dma_start3A_192] : memref<320x128xf32, #tpu.memory_space<vmem>> -> memref<80x128xf32, #tpu.memory_space<vmem>>
    %dma_start3A_194 = arith.constant 0 : i32
    %dma_start3A_195 = tpu.memref_slice %arg5[%dma_start3A_190, %dma_start3A_194] : memref<160x80xi32, #tpu.memory_space<vmem>> -> memref<1x80xi32, #tpu.memory_space<vmem>>
    %dma_start3A_196 = tpu.memref_squeeze %dma_start3A_195 : memref<1x80xi32, #tpu.memory_space<vmem>> -> memref<80xi32, #tpu.memory_space<vmem>>
    %dma_start3A_197 = arith.constant 0 : i32
    %dma_start3A_198 = arith.constant 0 : i32
    %dma_start3A_199 = tpu.memref_slice %arg7[%dma_start3A_197, %dma_start3A_198] : memref<8192x128xf32, #tpu.memory_space<vmem_shared>> -> memref<8192x128xf32, #tpu.memory_space<vmem_shared>>
    tpu.enqueue_indirect_dma source(%dma_start3A_199 : memref<8192x128xf32, #tpu.memory_space<vmem_shared>>) target(%dma_start3A_193 : memref<80x128xf32, #tpu.memory_space<vmem>>) offsets(%dma_start3A_196 : memref<80xi32, #tpu.memory_space<vmem>>) semaphore(%arg8 : memref<!tpu.dma_semaphore, #tpu.memory_space<semaphore_mem>>)
    %dma_wait3A_200 = arith.constant 160 : i32
    %dma_wait3A_201 = arith.constant 0 : i32
    %dma_wait3A_202 = tpu.memref_slice %arg6[%dma_wait3A_200, %dma_wait3A_201] : memref<320x128xf32, #tpu.memory_space<vmem>> -> memref<80x128xf32, #tpu.memory_space<vmem>>
    %dma_wait3A_203 = arith.constant 0 : i32
    %dma_wait3A_204 = arith.constant 0 : i32
    %dma_wait3A_205 = tpu.memref_slice %arg4[%dma_wait3A_203, %dma_wait3A_204] : memref<819200x128xf32, #tpu.memory_space<hbm>> -> memref<80x128xf32, #tpu.memory_space<hbm>>
    %dma_wait3A_206 = arith.constant 0 : i32
    %dma_wait3A_207 = arith.constant 0 : i32
    %dma_wait3A_208 = tpu.memref_slice %arg4[%dma_wait3A_206, %dma_wait3A_207] : memref<819200x128xf32, #tpu.memory_space<hbm>> -> memref<80x128xf32, #tpu.memory_space<hbm>>
    %dma_wait3A_209 = arith.constant 160 : i32
    %dma_wait3A_210 = arith.constant 0 : i32
    %dma_wait3A_211 = tpu.memref_slice %arg6[%dma_wait3A_209, %dma_wait3A_210] : memref<320x128xf32, #tpu.memory_space<vmem>> -> memref<80x128xf32, #tpu.memory_space<vmem>>
    tpu.wait_dma2 semaphore(%arg9 : memref<!tpu.dma_semaphore, #tpu.memory_space<semaphore_mem>>) src(%dma_wait3A_211 : memref<80x128xf32, #tpu.memory_space<vmem>>) dst(%dma_wait3A_208 : memref<80x128xf32, #tpu.memory_space<hbm>>)
    %dma_start3A_212 = arith.constant 2 : i32
    %dma_start3A_213 = arith.constant 160 : i32
    %dma_start3A_214 = arith.constant 0 : i32
    %dma_start3A_215 = tpu.memref_slice %arg6[%dma_start3A_213, %dma_start3A_214] : memref<320x128xf32, #tpu.memory_space<vmem>> -> memref<80x128xf32, #tpu.memory_space<vmem>>
    %dma_start3A_216 = arith.constant 0 : i32
    %dma_start3A_217 = tpu.memref_slice %arg5[%dma_start3A_212, %dma_start3A_216] : memref<160x80xi32, #tpu.memory_space<vmem>> -> memref<1x80xi32, #tpu.memory_space<vmem>>
    %dma_start3A_218 = tpu.memref_squeeze %dma_start3A_217 : memref<1x80xi32, #tpu.memory_space<vmem>> -> memref<80xi32, #tpu.memory_space<vmem>>
    %dma_start3A_219 = arith.constant 0 : i32
    %dma_start3A_220 = arith.constant 0 : i32
    %dma_start3A_221 = tpu.memref_slice %arg7[%dma_start3A_219, %dma_start3A_220] : memref<8192x128xf32, #tpu.memory_space<vmem_shared>> -> memref<8192x128xf32, #tpu.memory_space<vmem_shared>>
    tpu.enqueue_indirect_dma source(%dma_start3A_221 : memref<8192x128xf32, #tpu.memory_space<vmem_shared>>) target(%dma_start3A_215 : memref<80x128xf32, #tpu.memory_space<vmem>>) offsets(%dma_start3A_218 : memref<80xi32, #tpu.memory_space<vmem>>) semaphore(%arg8 : memref<!tpu.dma_semaphore, #tpu.memory_space<semaphore_mem>>)
    %dma_wait3A_222 = arith.constant 240 : i32
    %dma_wait3A_223 = arith.constant 0 : i32
    %dma_wait3A_224 = tpu.memref_slice %arg6[%dma_wait3A_222, %dma_wait3A_223] : memref<320x128xf32, #tpu.memory_space<vmem>> -> memref<80x128xf32, #tpu.memory_space<vmem>>
    %dma_wait3A_225 = arith.constant 0 : i32
    %dma_wait3A_226 = arith.constant 0 : i32
    %dma_wait3A_227 = tpu.memref_slice %arg4[%dma_wait3A_225, %dma_wait3A_226] : memref<819200x128xf32, #tpu.memory_space<hbm>> -> memref<80x128xf32, #tpu.memory_space<hbm>>
    %dma_wait3A_228 = arith.constant 0 : i32
    %dma_wait3A_229 = arith.constant 0 : i32
    %dma_wait3A_230 = tpu.memref_slice %arg4[%dma_wait3A_228, %dma_wait3A_229] : memref<819200x128xf32, #tpu.memory_space<hbm>> -> memref<80x128xf32, #tpu.memory_space<hbm>>
    %dma_wait3A_231 = arith.constant 240 : i32
    %dma_wait3A_232 = arith.constant 0 : i32
    %dma_wait3A_233 = tpu.memref_slice %arg6[%dma_wait3A_231, %dma_wait3A_232] : memref<320x128xf32, #tpu.memory_space<vmem>> -> memref<80x128xf32, #tpu.memory_space<vmem>>
    tpu.wait_dma2 semaphore(%arg9 : memref<!tpu.dma_semaphore, #tpu.memory_space<semaphore_mem>>) src(%dma_wait3A_233 : memref<80x128xf32, #tpu.memory_space<vmem>>) dst(%dma_wait3A_230 : memref<80x128xf32, #tpu.memory_space<hbm>>)
    %dma_start3A_234 = arith.constant 3 : i32
    %dma_start3A_235 = arith.constant 240 : i32
    %dma_start3A_236 = arith.constant 0 : i32
    %dma_start3A_237 = tpu.memref_slice %arg6[%dma_start3A_235, %dma_start3A_236] : memref<320x128xf32, #tpu.memory_space<vmem>> -> memref<80x128xf32, #tpu.memory_space<vmem>>
    %dma_start3A_238 = arith.constant 0 : i32
    %dma_start3A_239 = tpu.memref_slice %arg5[%dma_start3A_234, %dma_start3A_238] : memref<160x80xi32, #tpu.memory_space<vmem>> -> memref<1x80xi32, #tpu.memory_space<vmem>>
    %dma_start3A_240 = tpu.memref_squeeze %dma_start3A_239 : memref<1x80xi32, #tpu.memory_space<vmem>> -> memref<80xi32, #tpu.memory_space<vmem>>
    %dma_start3A_241 = arith.constant 0 : i32
    %dma_start3A_242 = arith.constant 0 : i32
    %dma_start3A_243 = tpu.memref_slice %arg7[%dma_start3A_241, %dma_start3A_242] : memref<8192x128xf32, #tpu.memory_space<vmem_shared>> -> memref<8192x128xf32, #tpu.memory_space<vmem_shared>>
    tpu.enqueue_indirect_dma source(%dma_start3A_243 : memref<8192x128xf32, #tpu.memory_space<vmem_shared>>) target(%dma_start3A_237 : memref<80x128xf32, #tpu.memory_space<vmem>>) offsets(%dma_start3A_240 : memref<80xi32, #tpu.memory_space<vmem>>) semaphore(%arg8 : memref<!tpu.dma_semaphore, #tpu.memory_space<semaphore_mem>>)
    %dma_wait3A_244 = arith.constant 0 : i32
    %dma_wait3A_245 = arith.constant 0 : i32
    %dma_wait3A_246 = tpu.memref_slice %arg6[%dma_wait3A_244, %dma_wait3A_245] : memref<320x128xf32, #tpu.memory_space<vmem>> -> memref<80x128xf32, #tpu.memory_space<vmem>>
    %dma_wait3A_247 = arith.constant 0 : i32
    %dma_wait3A_248 = arith.constant 0 : i32
    %dma_wait3A_249 = tpu.memref_slice %arg7[%dma_wait3A_247, %dma_wait3A_248] : memref<8192x128xf32, #tpu.memory_space<vmem_shared>> -> memref<80x128xf32, #tpu.memory_space<vmem_shared>>
    %dma_wait3A_250 = arith.constant 0 : i32
    %dma_wait3A_251 = arith.constant 0 : i32
    %dma_wait3A_252 = tpu.memref_slice %arg6[%dma_wait3A_250, %dma_wait3A_251] : memref<320x128xf32, #tpu.memory_space<vmem>> -> memref<80x128xf32, #tpu.memory_space<vmem>>
    %dma_wait3A_253 = arith.constant 0 : i32
    %dma_wait3A_254 = arith.constant 0 : i32
    %dma_wait3A_255 = tpu.memref_slice %arg7[%dma_wait3A_253, %dma_wait3A_254] : memref<8192x128xf32, #tpu.memory_space<vmem_shared>> -> memref<80x128xf32, #tpu.memory_space<vmem_shared>>
    tpu.wait_dma2 semaphore(%arg8 : memref<!tpu.dma_semaphore, #tpu.memory_space<semaphore_mem>>) src(%dma_wait3A_255 : memref<80x128xf32, #tpu.memory_space<vmem_shared>>) dst(%dma_wait3A_252 : memref<80x128xf32, #tpu.memory_space<vmem>>)
    %add3A_256 = arith.constant 12800 : i32
    %add3A_257 = arith.addi %mul3A_2, %add3A_256 : i32
    %dma_start3A_258 = arith.constant 0 : i32
    %dma_start3A_259 = arith.constant 0 : i32
    %dma_start3A_260 = tpu.memref_slice %arg6[%dma_start3A_258, %dma_start3A_259] : memref<320x128xf32, #tpu.memory_space<vmem>> -> memref<80x128xf32, #tpu.memory_space<vmem>>
    %dma_start3A_261 = arith.constant 0 : i32
    %dma_start3A_262 = tpu.memref_slice %arg4[%add3A_257, %dma_start3A_261] : memref<819200x128xf32, #tpu.memory_space<hbm>> -> memref<80x128xf32, #tpu.memory_space<hbm>>
    %dma_start3A_263 = arith.constant 0 : i32
    %dma_start3A_264 = tpu.memref_slice %arg4[%add3A_257, %dma_start3A_263] : memref<819200x128xf32, #tpu.memory_space<hbm>> -> memref<80x128xf32, #tpu.memory_space<hbm>>
    %dma_start3A_265 = arith.constant 0 : i32
    %dma_start3A_266 = arith.constant 0 : i32
    %dma_start3A_267 = tpu.memref_slice %arg6[%dma_start3A_265, %dma_start3A_266] : memref<320x128xf32, #tpu.memory_space<vmem>> -> memref<80x128xf32, #tpu.memory_space<vmem>>
    tpu.enqueue_dma source(%dma_start3A_267 : memref<80x128xf32, #tpu.memory_space<vmem>>) target(%dma_start3A_264 : memref<80x128xf32, #tpu.memory_space<hbm>>) target_semaphore(%arg9 : memref<!tpu.dma_semaphore, #tpu.memory_space<semaphore_mem>>)
    %dma_wait3A_268 = arith.constant 80 : i32
    %dma_wait3A_269 = arith.constant 0 : i32
    %dma_wait3A_270 = tpu.memref_slice %arg6[%dma_wait3A_268, %dma_wait3A_269] : memref<320x128xf32, #tpu.memory_space<vmem>> -> memref<80x128xf32, #tpu.memory_space<vmem>>
    %dma_wait3A_271 = arith.constant 0 : i32
    %dma_wait3A_272 = arith.constant 0 : i32
    %dma_wait3A_273 = tpu.memref_slice %arg7[%dma_wait3A_271, %dma_wait3A_272] : memref<8192x128xf32, #tpu.memory_space<vmem_shared>> -> memref<80x128xf32, #tpu.memory_space<vmem_shared>>
    %dma_wait3A_274 = arith.constant 80 : i32
    %dma_wait3A_275 = arith.constant 0 : i32
    %dma_wait3A_276 = tpu.memref_slice %arg6[%dma_wait3A_274, %dma_wait3A_275] : memref<320x128xf32, #tpu.memory_space<vmem>> -> memref<80x128xf32, #tpu.memory_space<vmem>>
    %dma_wait3A_277 = arith.constant 0 : i32
    %dma_wait3A_278 = arith.constant 0 : i32
    %dma_wait3A_279 = tpu.memref_slice %arg7[%dma_wait3A_277, %dma_wait3A_278] : memref<8192x128xf32, #tpu.memory_space<vmem_shared>> -> memref<80x128xf32, #tpu.memory_space<vmem_shared>>
    tpu.wait_dma2 semaphore(%arg8 : memref<!tpu.dma_semaphore, #tpu.memory_space<semaphore_mem>>) src(%dma_wait3A_279 : memref<80x128xf32, #tpu.memory_space<vmem_shared>>) dst(%dma_wait3A_276 : memref<80x128xf32, #tpu.memory_space<vmem>>)
    %add3A_280 = arith.constant 12880 : i32
    %add3A_281 = arith.addi %mul3A_2, %add3A_280 : i32
    %dma_start3A_282 = arith.constant 80 : i32
    %dma_start3A_283 = arith.constant 0 : i32
    %dma_start3A_284 = tpu.memref_slice %arg6[%dma_start3A_282, %dma_start3A_283] : memref<320x128xf32, #tpu.memory_space<vmem>> -> memref<80x128xf32, #tpu.memory_space<vmem>>
    %dma_start3A_285 = arith.constant 0 : i32
    %dma_start3A_286 = tpu.memref_slice %arg4[%add3A_281, %dma_start3A_285] : memref<819200x128xf32, #tpu.memory_space<hbm>> -> memref<80x128xf32, #tpu.memory_space<hbm>>
    %dma_start3A_287 = arith.constant 0 : i32
    %dma_start3A_288 = tpu.memref_slice %arg4[%add3A_281, %dma_start3A_287] : memref<819200x128xf32, #tpu.memory_space<hbm>> -> memref<80x128xf32, #tpu.memory_space<hbm>>
    %dma_start3A_289 = arith.constant 80 : i32
    %dma_start3A_290 = arith.constant 0 : i32
    %dma_start3A_291 = tpu.memref_slice %arg6[%dma_start3A_289, %dma_start3A_290] : memref<320x128xf32, #tpu.memory_space<vmem>> -> memref<80x128xf32, #tpu.memory_space<vmem>>
    tpu.enqueue_dma source(%dma_start3A_291 : memref<80x128xf32, #tpu.memory_space<vmem>>) target(%dma_start3A_288 : memref<80x128xf32, #tpu.memory_space<hbm>>) target_semaphore(%arg9 : memref<!tpu.dma_semaphore, #tpu.memory_space<semaphore_mem>>)
    %dma_wait3A_292 = arith.constant 160 : i32
    %dma_wait3A_293 = arith.constant 0 : i32
    %dma_wait3A_294 = tpu.memref_slice %arg6[%dma_wait3A_292, %dma_wait3A_293] : memref<320x128xf32, #tpu.memory_space<vmem>> -> memref<80x128xf32, #tpu.memory_space<vmem>>
    %dma_wait3A_295 = arith.constant 0 : i32
    %dma_wait3A_296 = arith.constant 0 : i32
    %dma_wait3A_297 = tpu.memref_slice %arg7[%dma_wait3A_295, %dma_wait3A_296] : memref<8192x128xf32, #tpu.memory_space<vmem_shared>> -> memref<80x128xf32, #tpu.memory_space<vmem_shared>>
    %dma_wait3A_298 = arith.constant 160 : i32
    %dma_wait3A_299 = arith.constant 0 : i32
    %dma_wait3A_300 = tpu.memref_slice %arg6[%dma_wait3A_298, %dma_wait3A_299] : memref<320x128xf32, #tpu.memory_space<vmem>> -> memref<80x128xf32, #tpu.memory_space<vmem>>
    %dma_wait3A_301 = arith.constant 0 : i32
    %dma_wait3A_302 = arith.constant 0 : i32
    %dma_wait3A_303 = tpu.memref_slice %arg7[%dma_wait3A_301, %dma_wait3A_302] : memref<8192x128xf32, #tpu.memory_space<vmem_shared>> -> memref<80x128xf32, #tpu.memory_space<vmem_shared>>
    tpu.wait_dma2 semaphore(%arg8 : memref<!tpu.dma_semaphore, #tpu.memory_space<semaphore_mem>>) src(%dma_wait3A_303 : memref<80x128xf32, #tpu.memory_space<vmem_shared>>) dst(%dma_wait3A_300 : memref<80x128xf32, #tpu.memory_space<vmem>>)
    %add3A_304 = arith.constant 12960 : i32
    %add3A_305 = arith.addi %mul3A_2, %add3A_304 : i32
    %dma_start3A_306 = arith.constant 160 : i32
    %dma_start3A_307 = arith.constant 0 : i32
    %dma_start3A_308 = tpu.memref_slice %arg6[%dma_start3A_306, %dma_start3A_307] : memref<320x128xf32, #tpu.memory_space<vmem>> -> memref<80x128xf32, #tpu.memory_space<vmem>>
    %dma_start3A_309 = arith.constant 0 : i32
    %dma_start3A_310 = tpu.memref_slice %arg4[%add3A_305, %dma_start3A_309] : memref<819200x128xf32, #tpu.memory_space<hbm>> -> memref<80x128xf32, #tpu.memory_space<hbm>>
    %dma_start3A_311 = arith.constant 0 : i32
    %dma_start3A_312 = tpu.memref_slice %arg4[%add3A_305, %dma_start3A_311] : memref<819200x128xf32, #tpu.memory_space<hbm>> -> memref<80x128xf32, #tpu.memory_space<hbm>>
    %dma_start3A_313 = arith.constant 160 : i32
    %dma_start3A_314 = arith.constant 0 : i32
    %dma_start3A_315 = tpu.memref_slice %arg6[%dma_start3A_313, %dma_start3A_314] : memref<320x128xf32, #tpu.memory_space<vmem>> -> memref<80x128xf32, #tpu.memory_space<vmem>>
    tpu.enqueue_dma source(%dma_start3A_315 : memref<80x128xf32, #tpu.memory_space<vmem>>) target(%dma_start3A_312 : memref<80x128xf32, #tpu.memory_space<hbm>>) target_semaphore(%arg9 : memref<!tpu.dma_semaphore, #tpu.memory_space<semaphore_mem>>)
    %dma_wait3A_316 = arith.constant 240 : i32
    %dma_wait3A_317 = arith.constant 0 : i32
    %dma_wait3A_318 = tpu.memref_slice %arg6[%dma_wait3A_316, %dma_wait3A_317] : memref<320x128xf32, #tpu.memory_space<vmem>> -> memref<80x128xf32, #tpu.memory_space<vmem>>
    %dma_wait3A_319 = arith.constant 0 : i32
    %dma_wait3A_320 = arith.constant 0 : i32
    %dma_wait3A_321 = tpu.memref_slice %arg7[%dma_wait3A_319, %dma_wait3A_320] : memref<8192x128xf32, #tpu.memory_space<vmem_shared>> -> memref<80x128xf32, #tpu.memory_space<vmem_shared>>
    %dma_wait3A_322 = arith.constant 240 : i32
    %dma_wait3A_323 = arith.constant 0 : i32
    %dma_wait3A_324 = tpu.memref_slice %arg6[%dma_wait3A_322, %dma_wait3A_323] : memref<320x128xf32, #tpu.memory_space<vmem>> -> memref<80x128xf32, #tpu.memory_space<vmem>>
    %dma_wait3A_325 = arith.constant 0 : i32
    %dma_wait3A_326 = arith.constant 0 : i32
    %dma_wait3A_327 = tpu.memref_slice %arg7[%dma_wait3A_325, %dma_wait3A_326] : memref<8192x128xf32, #tpu.memory_space<vmem_shared>> -> memref<80x128xf32, #tpu.memory_space<vmem_shared>>
    tpu.wait_dma2 semaphore(%arg8 : memref<!tpu.dma_semaphore, #tpu.memory_space<semaphore_mem>>) src(%dma_wait3A_327 : memref<80x128xf32, #tpu.memory_space<vmem_shared>>) dst(%dma_wait3A_324 : memref<80x128xf32, #tpu.memory_space<vmem>>)
    %add3A_328 = arith.constant 13040 : i32
    %add3A_329 = arith.addi %mul3A_2, %add3A_328 : i32
    %dma_start3A_330 = arith.constant 240 : i32
    %dma_start3A_331 = arith.constant 0 : i32
    %dma_start3A_332 = tpu.memref_slice %arg6[%dma_start3A_330, %dma_start3A_331] : memref<320x128xf32, #tpu.memory_space<vmem>> -> memref<80x128xf32, #tpu.memory_space<vmem>>
    %dma_start3A_333 = arith.constant 0 : i32
    %dma_start3A_334 = tpu.memref_slice %arg4[%add3A_329, %dma_start3A_333] : memref<819200x128xf32, #tpu.memory_space<hbm>> -> memref<80x128xf32, #tpu.memory_space<hbm>>
    %dma_start3A_335 = arith.constant 0 : i32
    %dma_start3A_336 = tpu.memref_slice %arg4[%add3A_329, %dma_start3A_335] : memref<819200x128xf32, #tpu.memory_space<hbm>> -> memref<80x128xf32, #tpu.memory_space<hbm>>
    %dma_start3A_337 = arith.constant 240 : i32
    %dma_start3A_338 = arith.constant 0 : i32
    %dma_start3A_339 = tpu.memref_slice %arg6[%dma_start3A_337, %dma_start3A_338] : memref<320x128xf32, #tpu.memory_space<vmem>> -> memref<80x128xf32, #tpu.memory_space<vmem>>
    tpu.enqueue_dma source(%dma_start3A_339 : memref<80x128xf32, #tpu.memory_space<vmem>>) target(%dma_start3A_336 : memref<80x128xf32, #tpu.memory_space<hbm>>) target_semaphore(%arg9 : memref<!tpu.dma_semaphore, #tpu.memory_space<semaphore_mem>>)
    %scan3A_340 = arith.constant 0 : i32
    %scan3A_341 = arith.constant 1 : i32
    %scan3A_342 = arith.constant 39 : i32
    %scan3A_343 = arith.addi %scan3A_341, %scan3A_342 : i32
    %scan3A_344 = arith.constant 1 : i32
    scf.for %scan3A_394 = %scan3A_341 to %scan3A_343 step %scan3A_344  : i32 {
      %mul3A_395 = arith.constant 4 : i32
      %mul3A_396 = arith.muli %scan3A_394, %mul3A_395 : i32
      %dma_wait3A_397 = arith.constant 0 : i32
      %dma_wait3A_398 = arith.constant 0 : i32
      %dma_wait3A_399 = tpu.memref_slice %arg6[%dma_wait3A_397, %dma_wait3A_398] : memref<320x128xf32, #tpu.memory_space<vmem>> -> memref<80x128xf32, #tpu.memory_space<vmem>>
      %dma_wait3A_400 = arith.constant 0 : i32
      %dma_wait3A_401 = arith.constant 0 : i32
      %dma_wait3A_402 = tpu.memref_slice %arg4[%dma_wait3A_400, %dma_wait3A_401] : memref<819200x128xf32, #tpu.memory_space<hbm>> -> memref<80x128xf32, #tpu.memory_space<hbm>>
      %dma_wait3A_403 = arith.constant 0 : i32
      %dma_wait3A_404 = arith.constant 0 : i32
      %dma_wait3A_405 = tpu.memref_slice %arg4[%dma_wait3A_403, %dma_wait3A_404] : memref<819200x128xf32, #tpu.memory_space<hbm>> -> memref<80x128xf32, #tpu.memory_space<hbm>>
      %dma_wait3A_406 = arith.constant 0 : i32
      %dma_wait3A_407 = arith.constant 0 : i32
      %dma_wait3A_408 = tpu.memref_slice %arg6[%dma_wait3A_406, %dma_wait3A_407] : memref<320x128xf32, #tpu.memory_space<vmem>> -> memref<80x128xf32, #tpu.memory_space<vmem>>
      tpu.wait_dma2 semaphore(%arg9 : memref<!tpu.dma_semaphore, #tpu.memory_space<semaphore_mem>>) src(%dma_wait3A_408 : memref<80x128xf32, #tpu.memory_space<vmem>>) dst(%dma_wait3A_405 : memref<80x128xf32, #tpu.memory_space<hbm>>)
      %add3A_409 = arith.constant 0 : i32
      %add3A_410 = arith.addi %mul3A_396, %add3A_409 : i32
      %dma_start3A_411 = arith.constant 0 : i32
      %dma_start3A_412 = arith.constant 0 : i32
      %dma_start3A_413 = tpu.memref_slice %arg6[%dma_start3A_411, %dma_start3A_412] : memref<320x128xf32, #tpu.memory_space<vmem>> -> memref<80x128xf32, #tpu.memory_space<vmem>>
      %dma_start3A_414 = arith.constant 0 : i32
      %dma_start3A_415 = tpu.memref_slice %arg5[%add3A_410, %dma_start3A_414] : memref<160x80xi32, #tpu.memory_space<vmem>> -> memref<1x80xi32, #tpu.memory_space<vmem>>
      %dma_start3A_416 = tpu.memref_squeeze %dma_start3A_415 : memref<1x80xi32, #tpu.memory_space<vmem>> -> memref<80xi32, #tpu.memory_space<vmem>>
      %dma_start3A_417 = arith.constant 0 : i32
      %dma_start3A_418 = arith.constant 0 : i32
      %dma_start3A_419 = tpu.memref_slice %arg7[%dma_start3A_417, %dma_start3A_418] : memref<8192x128xf32, #tpu.memory_space<vmem_shared>> -> memref<8192x128xf32, #tpu.memory_space<vmem_shared>>
      tpu.enqueue_indirect_dma source(%dma_start3A_419 : memref<8192x128xf32, #tpu.memory_space<vmem_shared>>) target(%dma_start3A_413 : memref<80x128xf32, #tpu.memory_space<vmem>>) offsets(%dma_start3A_416 : memref<80xi32, #tpu.memory_space<vmem>>) semaphore(%arg8 : memref<!tpu.dma_semaphore, #tpu.memory_space<semaphore_mem>>)
      %dma_wait3A_420 = arith.constant 80 : i32
      %dma_wait3A_421 = arith.constant 0 : i32
      %dma_wait3A_422 = tpu.memref_slice %arg6[%dma_wait3A_420, %dma_wait3A_421] : memref<320x128xf32, #tpu.memory_space<vmem>> -> memref<80x128xf32, #tpu.memory_space<vmem>>
      %dma_wait3A_423 = arith.constant 0 : i32
      %dma_wait3A_424 = arith.constant 0 : i32
      %dma_wait3A_425 = tpu.memref_slice %arg4[%dma_wait3A_423, %dma_wait3A_424] : memref<819200x128xf32, #tpu.memory_space<hbm>> -> memref<80x128xf32, #tpu.memory_space<hbm>>
      %dma_wait3A_426 = arith.constant 0 : i32
      %dma_wait3A_427 = arith.constant 0 : i32
      %dma_wait3A_428 = tpu.memref_slice %arg4[%dma_wait3A_426, %dma_wait3A_427] : memref<819200x128xf32, #tpu.memory_space<hbm>> -> memref<80x128xf32, #tpu.memory_space<hbm>>
      %dma_wait3A_429 = arith.constant 80 : i32
      %dma_wait3A_430 = arith.constant 0 : i32
      %dma_wait3A_431 = tpu.memref_slice %arg6[%dma_wait3A_429, %dma_wait3A_430] : memref<320x128xf32, #tpu.memory_space<vmem>> -> memref<80x128xf32, #tpu.memory_space<vmem>>
      tpu.wait_dma2 semaphore(%arg9 : memref<!tpu.dma_semaphore, #tpu.memory_space<semaphore_mem>>) src(%dma_wait3A_431 : memref<80x128xf32, #tpu.memory_space<vmem>>) dst(%dma_wait3A_428 : memref<80x128xf32, #tpu.memory_space<hbm>>)
      %add3A_432 = arith.constant 1 : i32
      %add3A_433 = arith.addi %mul3A_396, %add3A_432 : i32
      %dma_start3A_434 = arith.constant 80 : i32
      %dma_start3A_435 = arith.constant 0 : i32
      %dma_start3A_436 = tpu.memref_slice %arg6[%dma_start3A_434, %dma_start3A_435] : memref<320x128xf32, #tpu.memory_space<vmem>> -> memref<80x128xf32, #tpu.memory_space<vmem>>
      %dma_start3A_437 = arith.constant 0 : i32
      %dma_start3A_438 = tpu.memref_slice %arg5[%add3A_433, %dma_start3A_437] : memref<160x80xi32, #tpu.memory_space<vmem>> -> memref<1x80xi32, #tpu.memory_space<vmem>>
      %dma_start3A_439 = tpu.memref_squeeze %dma_start3A_438 : memref<1x80xi32, #tpu.memory_space<vmem>> -> memref<80xi32, #tpu.memory_space<vmem>>
      %dma_start3A_440 = arith.constant 0 : i32
      %dma_start3A_441 = arith.constant 0 : i32
      %dma_start3A_442 = tpu.memref_slice %arg7[%dma_start3A_440, %dma_start3A_441] : memref<8192x128xf32, #tpu.memory_space<vmem_shared>> -> memref<8192x128xf32, #tpu.memory_space<vmem_shared>>
      tpu.enqueue_indirect_dma source(%dma_start3A_442 : memref<8192x128xf32, #tpu.memory_space<vmem_shared>>) target(%dma_start3A_436 : memref<80x128xf32, #tpu.memory_space<vmem>>) offsets(%dma_start3A_439 : memref<80xi32, #tpu.memory_space<vmem>>) semaphore(%arg8 : memref<!tpu.dma_semaphore, #tpu.memory_space<semaphore_mem>>)
      %dma_wait3A_443 = arith.constant 160 : i32
      %dma_wait3A_444 = arith.constant 0 : i32
      %dma_wait3A_445 = tpu.memref_slice %arg6[%dma_wait3A_443, %dma_wait3A_444] : memref<320x128xf32, #tpu.memory_space<vmem>> -> memref<80x128xf32, #tpu.memory_space<vmem>>
      %dma_wait3A_446 = arith.constant 0 : i32
      %dma_wait3A_447 = arith.constant 0 : i32
      %dma_wait3A_448 = tpu.memref_slice %arg4[%dma_wait3A_446, %dma_wait3A_447] : memref<819200x128xf32, #tpu.memory_space<hbm>> -> memref<80x128xf32, #tpu.memory_space<hbm>>
      %dma_wait3A_449 = arith.constant 0 : i32
      %dma_wait3A_450 = arith.constant 0 : i32
      %dma_wait3A_451 = tpu.memref_slice %arg4[%dma_wait3A_449, %dma_wait3A_450] : memref<819200x128xf32, #tpu.memory_space<hbm>> -> memref<80x128xf32, #tpu.memory_space<hbm>>
      %dma_wait3A_452 = arith.constant 160 : i32
      %dma_wait3A_453 = arith.constant 0 : i32
      %dma_wait3A_454 = tpu.memref_slice %arg6[%dma_wait3A_452, %dma_wait3A_453] : memref<320x128xf32, #tpu.memory_space<vmem>> -> memref<80x128xf32, #tpu.memory_space<vmem>>
      tpu.wait_dma2 semaphore(%arg9 : memref<!tpu.dma_semaphore, #tpu.memory_space<semaphore_mem>>) src(%dma_wait3A_454 : memref<80x128xf32, #tpu.memory_space<vmem>>) dst(%dma_wait3A_451 : memref<80x128xf32, #tpu.memory_space<hbm>>)
      %add3A_455 = arith.constant 2 : i32
      %add3A_456 = arith.addi %mul3A_396, %add3A_455 : i32
      %dma_start3A_457 = arith.constant 160 : i32
      %dma_start3A_458 = arith.constant 0 : i32
      %dma_start3A_459 = tpu.memref_slice %arg6[%dma_start3A_457, %dma_start3A_458] : memref<320x128xf32, #tpu.memory_space<vmem>> -> memref<80x128xf32, #tpu.memory_space<vmem>>
      %dma_start3A_460 = arith.constant 0 : i32
      %dma_start3A_461 = tpu.memref_slice %arg5[%add3A_456, %dma_start3A_460] : memref<160x80xi32, #tpu.memory_space<vmem>> -> memref<1x80xi32, #tpu.memory_space<vmem>>
      %dma_start3A_462 = tpu.memref_squeeze %dma_start3A_461 : memref<1x80xi32, #tpu.memory_space<vmem>> -> memref<80xi32, #tpu.memory_space<vmem>>
      %dma_start3A_463 = arith.constant 0 : i32
      %dma_start3A_464 = arith.constant 0 : i32
      %dma_start3A_465 = tpu.memref_slice %arg7[%dma_start3A_463, %dma_start3A_464] : memref<8192x128xf32, #tpu.memory_space<vmem_shared>> -> memref<8192x128xf32, #tpu.memory_space<vmem_shared>>
      tpu.enqueue_indirect_dma source(%dma_start3A_465 : memref<8192x128xf32, #tpu.memory_space<vmem_shared>>) target(%dma_start3A_459 : memref<80x128xf32, #tpu.memory_space<vmem>>) offsets(%dma_start3A_462 : memref<80xi32, #tpu.memory_space<vmem>>) semaphore(%arg8 : memref<!tpu.dma_semaphore, #tpu.memory_space<semaphore_mem>>)
      %dma_wait3A_466 = arith.constant 240 : i32
      %dma_wait3A_467 = arith.constant 0 : i32
      %dma_wait3A_468 = tpu.memref_slice %arg6[%dma_wait3A_466, %dma_wait3A_467] : memref<320x128xf32, #tpu.memory_space<vmem>> -> memref<80x128xf32, #tpu.memory_space<vmem>>
      %dma_wait3A_469 = arith.constant 0 : i32
      %dma_wait3A_470 = arith.constant 0 : i32
      %dma_wait3A_471 = tpu.memref_slice %arg4[%dma_wait3A_469, %dma_wait3A_470] : memref<819200x128xf32, #tpu.memory_space<hbm>> -> memref<80x128xf32, #tpu.memory_space<hbm>>
      %dma_wait3A_472 = arith.constant 0 : i32
      %dma_wait3A_473 = arith.constant 0 : i32
      %dma_wait3A_474 = tpu.memref_slice %arg4[%dma_wait3A_472, %dma_wait3A_473] : memref<819200x128xf32, #tpu.memory_space<hbm>> -> memref<80x128xf32, #tpu.memory_space<hbm>>
      %dma_wait3A_475 = arith.constant 240 : i32
      %dma_wait3A_476 = arith.constant 0 : i32
      %dma_wait3A_477 = tpu.memref_slice %arg6[%dma_wait3A_475, %dma_wait3A_476] : memref<320x128xf32, #tpu.memory_space<vmem>> -> memref<80x128xf32, #tpu.memory_space<vmem>>
      tpu.wait_dma2 semaphore(%arg9 : memref<!tpu.dma_semaphore, #tpu.memory_space<semaphore_mem>>) src(%dma_wait3A_477 : memref<80x128xf32, #tpu.memory_space<vmem>>) dst(%dma_wait3A_474 : memref<80x128xf32, #tpu.memory_space<hbm>>)
      %add3A_478 = arith.constant 3 : i32
      %add3A_479 = arith.addi %mul3A_396, %add3A_478 : i32
      %dma_start3A_480 = arith.constant 240 : i32
      %dma_start3A_481 = arith.constant 0 : i32
      %dma_start3A_482 = tpu.memref_slice %arg6[%dma_start3A_480, %dma_start3A_481] : memref<320x128xf32, #tpu.memory_space<vmem>> -> memref<80x128xf32, #tpu.memory_space<vmem>>
      %dma_start3A_483 = arith.constant 0 : i32
      %dma_start3A_484 = tpu.memref_slice %arg5[%add3A_479, %dma_start3A_483] : memref<160x80xi32, #tpu.memory_space<vmem>> -> memref<1x80xi32, #tpu.memory_space<vmem>>
      %dma_start3A_485 = tpu.memref_squeeze %dma_start3A_484 : memref<1x80xi32, #tpu.memory_space<vmem>> -> memref<80xi32, #tpu.memory_space<vmem>>
      %dma_start3A_486 = arith.constant 0 : i32
      %dma_start3A_487 = arith.constant 0 : i32
      %dma_start3A_488 = tpu.memref_slice %arg7[%dma_start3A_486, %dma_start3A_487] : memref<8192x128xf32, #tpu.memory_space<vmem_shared>> -> memref<8192x128xf32, #tpu.memory_space<vmem_shared>>
      tpu.enqueue_indirect_dma source(%dma_start3A_488 : memref<8192x128xf32, #tpu.memory_space<vmem_shared>>) target(%dma_start3A_482 : memref<80x128xf32, #tpu.memory_space<vmem>>) offsets(%dma_start3A_485 : memref<80xi32, #tpu.memory_space<vmem>>) semaphore(%arg8 : memref<!tpu.dma_semaphore, #tpu.memory_space<semaphore_mem>>)
      %dma_wait3A_489 = arith.constant 0 : i32
      %dma_wait3A_490 = arith.constant 0 : i32
      %dma_wait3A_491 = tpu.memref_slice %arg6[%dma_wait3A_489, %dma_wait3A_490] : memref<320x128xf32, #tpu.memory_space<vmem>> -> memref<80x128xf32, #tpu.memory_space<vmem>>
      %dma_wait3A_492 = arith.constant 0 : i32
      %dma_wait3A_493 = arith.constant 0 : i32
      %dma_wait3A_494 = tpu.memref_slice %arg7[%dma_wait3A_492, %dma_wait3A_493] : memref<8192x128xf32, #tpu.memory_space<vmem_shared>> -> memref<80x128xf32, #tpu.memory_space<vmem_shared>>
      %dma_wait3A_495 = arith.constant 0 : i32
      %dma_wait3A_496 = arith.constant 0 : i32
      %dma_wait3A_497 = tpu.memref_slice %arg6[%dma_wait3A_495, %dma_wait3A_496] : memref<320x128xf32, #tpu.memory_space<vmem>> -> memref<80x128xf32, #tpu.memory_space<vmem>>
      %dma_wait3A_498 = arith.constant 0 : i32
      %dma_wait3A_499 = arith.constant 0 : i32
      %dma_wait3A_500 = tpu.memref_slice %arg7[%dma_wait3A_498, %dma_wait3A_499] : memref<8192x128xf32, #tpu.memory_space<vmem_shared>> -> memref<80x128xf32, #tpu.memory_space<vmem_shared>>
      tpu.wait_dma2 semaphore(%arg8 : memref<!tpu.dma_semaphore, #tpu.memory_space<semaphore_mem>>) src(%dma_wait3A_500 : memref<80x128xf32, #tpu.memory_space<vmem_shared>>) dst(%dma_wait3A_497 : memref<80x128xf32, #tpu.memory_space<vmem>>)
      %add3A_501 = arith.constant 160 : i32
      %add3A_502 = arith.addi %add3A_501, %mul3A_396 : i32
      %add3A_503 = arith.constant 0 : i32
      %add3A_504 = arith.addi %add3A_502, %add3A_503 : i32
      %mul3A_505 = arith.constant 80 : i32
      %mul3A_506 = arith.muli %add3A_504, %mul3A_505 : i32
      %add3A_507 = arith.addi %mul3A_2, %mul3A_506 : i32
      %dma_start3A_508 = arith.constant 0 : i32
      %dma_start3A_509 = arith.constant 0 : i32
      %dma_start3A_510 = tpu.memref_slice %arg6[%dma_start3A_508, %dma_start3A_509] : memref<320x128xf32, #tpu.memory_space<vmem>> -> memref<80x128xf32, #tpu.memory_space<vmem>>
      %dma_start3A_511 = arith.constant 0 : i32
      %dma_start3A_512 = tpu.memref_slice %arg4[%add3A_507, %dma_start3A_511] : memref<819200x128xf32, #tpu.memory_space<hbm>> -> memref<80x128xf32, #tpu.memory_space<hbm>>
      %dma_start3A_513 = arith.constant 0 : i32
      %dma_start3A_514 = tpu.memref_slice %arg4[%add3A_507, %dma_start3A_513] : memref<819200x128xf32, #tpu.memory_space<hbm>> -> memref<80x128xf32, #tpu.memory_space<hbm>>
      %dma_start3A_515 = arith.constant 0 : i32
      %dma_start3A_516 = arith.constant 0 : i32
      %dma_start3A_517 = tpu.memref_slice %arg6[%dma_start3A_515, %dma_start3A_516] : memref<320x128xf32, #tpu.memory_space<vmem>> -> memref<80x128xf32, #tpu.memory_space<vmem>>
      tpu.enqueue_dma source(%dma_start3A_517 : memref<80x128xf32, #tpu.memory_space<vmem>>) target(%dma_start3A_514 : memref<80x128xf32, #tpu.memory_space<hbm>>) target_semaphore(%arg9 : memref<!tpu.dma_semaphore, #tpu.memory_space<semaphore_mem>>)
      %dma_wait3A_518 = arith.constant 80 : i32
      %dma_wait3A_519 = arith.constant 0 : i32
      %dma_wait3A_520 = tpu.memref_slice %arg6[%dma_wait3A_518, %dma_wait3A_519] : memref<320x128xf32, #tpu.memory_space<vmem>> -> memref<80x128xf32, #tpu.memory_space<vmem>>
      %dma_wait3A_521 = arith.constant 0 : i32
      %dma_wait3A_522 = arith.constant 0 : i32
      %dma_wait3A_523 = tpu.memref_slice %arg7[%dma_wait3A_521, %dma_wait3A_522] : memref<8192x128xf32, #tpu.memory_space<vmem_shared>> -> memref<80x128xf32, #tpu.memory_space<vmem_shared>>
      %dma_wait3A_524 = arith.constant 80 : i32
      %dma_wait3A_525 = arith.constant 0 : i32
      %dma_wait3A_526 = tpu.memref_slice %arg6[%dma_wait3A_524, %dma_wait3A_525] : memref<320x128xf32, #tpu.memory_space<vmem>> -> memref<80x128xf32, #tpu.memory_space<vmem>>
      %dma_wait3A_527 = arith.constant 0 : i32
      %dma_wait3A_528 = arith.constant 0 : i32
      %dma_wait3A_529 = tpu.memref_slice %arg7[%dma_wait3A_527, %dma_wait3A_528] : memref<8192x128xf32, #tpu.memory_space<vmem_shared>> -> memref<80x128xf32, #tpu.memory_space<vmem_shared>>
      tpu.wait_dma2 semaphore(%arg8 : memref<!tpu.dma_semaphore, #tpu.memory_space<semaphore_mem>>) src(%dma_wait3A_529 : memref<80x128xf32, #tpu.memory_space<vmem_shared>>) dst(%dma_wait3A_526 : memref<80x128xf32, #tpu.memory_space<vmem>>)
      %add3A_530 = arith.constant 160 : i32
      %add3A_531 = arith.addi %add3A_530, %mul3A_396 : i32
      %add3A_532 = arith.constant 1 : i32
      %add3A_533 = arith.addi %add3A_531, %add3A_532 : i32
      %mul3A_534 = arith.constant 80 : i32
      %mul3A_535 = arith.muli %add3A_533, %mul3A_534 : i32
      %add3A_536 = arith.addi %mul3A_2, %mul3A_535 : i32
      %dma_start3A_537 = arith.constant 80 : i32
      %dma_start3A_538 = arith.constant 0 : i32
      %dma_start3A_539 = tpu.memref_slice %arg6[%dma_start3A_537, %dma_start3A_538] : memref<320x128xf32, #tpu.memory_space<vmem>> -> memref<80x128xf32, #tpu.memory_space<vmem>>
      %dma_start3A_540 = arith.constant 0 : i32
      %dma_start3A_541 = tpu.memref_slice %arg4[%add3A_536, %dma_start3A_540] : memref<819200x128xf32, #tpu.memory_space<hbm>> -> memref<80x128xf32, #tpu.memory_space<hbm>>
      %dma_start3A_542 = arith.constant 0 : i32
      %dma_start3A_543 = tpu.memref_slice %arg4[%add3A_536, %dma_start3A_542] : memref<819200x128xf32, #tpu.memory_space<hbm>> -> memref<80x128xf32, #tpu.memory_space<hbm>>
      %dma_start3A_544 = arith.constant 80 : i32
      %dma_start3A_545 = arith.constant 0 : i32
      %dma_start3A_546 = tpu.memref_slice %arg6[%dma_start3A_544, %dma_start3A_545] : memref<320x128xf32, #tpu.memory_space<vmem>> -> memref<80x128xf32, #tpu.memory_space<vmem>>
      tpu.enqueue_dma source(%dma_start3A_546 : memref<80x128xf32, #tpu.memory_space<vmem>>) target(%dma_start3A_543 : memref<80x128xf32, #tpu.memory_space<hbm>>) target_semaphore(%arg9 : memref<!tpu.dma_semaphore, #tpu.memory_space<semaphore_mem>>)
      %dma_wait3A_547 = arith.constant 160 : i32
      %dma_wait3A_548 = arith.constant 0 : i32
      %dma_wait3A_549 = tpu.memref_slice %arg6[%dma_wait3A_547, %dma_wait3A_548] : memref<320x128xf32, #tpu.memory_space<vmem>> -> memref<80x128xf32, #tpu.memory_space<vmem>>
      %dma_wait3A_550 = arith.constant 0 : i32
      %dma_wait3A_551 = arith.constant 0 : i32
      %dma_wait3A_552 = tpu.memref_slice %arg7[%dma_wait3A_550, %dma_wait3A_551] : memref<8192x128xf32, #tpu.memory_space<vmem_shared>> -> memref<80x128xf32, #tpu.memory_space<vmem_shared>>
      %dma_wait3A_553 = arith.constant 160 : i32
      %dma_wait3A_554 = arith.constant 0 : i32
      %dma_wait3A_555 = tpu.memref_slice %arg6[%dma_wait3A_553, %dma_wait3A_554] : memref<320x128xf32, #tpu.memory_space<vmem>> -> memref<80x128xf32, #tpu.memory_space<vmem>>
      %dma_wait3A_556 = arith.constant 0 : i32
      %dma_wait3A_557 = arith.constant 0 : i32
      %dma_wait3A_558 = tpu.memref_slice %arg7[%dma_wait3A_556, %dma_wait3A_557] : memref<8192x128xf32, #tpu.memory_space<vmem_shared>> -> memref<80x128xf32, #tpu.memory_space<vmem_shared>>
      tpu.wait_dma2 semaphore(%arg8 : memref<!tpu.dma_semaphore, #tpu.memory_space<semaphore_mem>>) src(%dma_wait3A_558 : memref<80x128xf32, #tpu.memory_space<vmem_shared>>) dst(%dma_wait3A_555 : memref<80x128xf32, #tpu.memory_space<vmem>>)
      %add3A_559 = arith.constant 160 : i32
      %add3A_560 = arith.addi %add3A_559, %mul3A_396 : i32
      %add3A_561 = arith.constant 2 : i32
      %add3A_562 = arith.addi %add3A_560, %add3A_561 : i32
      %mul3A_563 = arith.constant 80 : i32
      %mul3A_564 = arith.muli %add3A_562, %mul3A_563 : i32
      %add3A_565 = arith.addi %mul3A_2, %mul3A_564 : i32
      %dma_start3A_566 = arith.constant 160 : i32
      %dma_start3A_567 = arith.constant 0 : i32
      %dma_start3A_568 = tpu.memref_slice %arg6[%dma_start3A_566, %dma_start3A_567] : memref<320x128xf32, #tpu.memory_space<vmem>> -> memref<80x128xf32, #tpu.memory_space<vmem>>
      %dma_start3A_569 = arith.constant 0 : i32
      %dma_start3A_570 = tpu.memref_slice %arg4[%add3A_565, %dma_start3A_569] : memref<819200x128xf32, #tpu.memory_space<hbm>> -> memref<80x128xf32, #tpu.memory_space<hbm>>
      %dma_start3A_571 = arith.constant 0 : i32
      %dma_start3A_572 = tpu.memref_slice %arg4[%add3A_565, %dma_start3A_571] : memref<819200x128xf32, #tpu.memory_space<hbm>> -> memref<80x128xf32, #tpu.memory_space<hbm>>
      %dma_start3A_573 = arith.constant 160 : i32
      %dma_start3A_574 = arith.constant 0 : i32
      %dma_start3A_575 = tpu.memref_slice %arg6[%dma_start3A_573, %dma_start3A_574] : memref<320x128xf32, #tpu.memory_space<vmem>> -> memref<80x128xf32, #tpu.memory_space<vmem>>
      tpu.enqueue_dma source(%dma_start3A_575 : memref<80x128xf32, #tpu.memory_space<vmem>>) target(%dma_start3A_572 : memref<80x128xf32, #tpu.memory_space<hbm>>) target_semaphore(%arg9 : memref<!tpu.dma_semaphore, #tpu.memory_space<semaphore_mem>>)
      %dma_wait3A_576 = arith.constant 240 : i32
      %dma_wait3A_577 = arith.constant 0 : i32
      %dma_wait3A_578 = tpu.memref_slice %arg6[%dma_wait3A_576, %dma_wait3A_577] : memref<320x128xf32, #tpu.memory_space<vmem>> -> memref<80x128xf32, #tpu.memory_space<vmem>>
      %dma_wait3A_579 = arith.constant 0 : i32
      %dma_wait3A_580 = arith.constant 0 : i32
      %dma_wait3A_581 = tpu.memref_slice %arg7[%dma_wait3A_579, %dma_wait3A_580] : memref<8192x128xf32, #tpu.memory_space<vmem_shared>> -> memref<80x128xf32, #tpu.memory_space<vmem_shared>>
      %dma_wait3A_582 = arith.constant 240 : i32
      %dma_wait3A_583 = arith.constant 0 : i32
      %dma_wait3A_584 = tpu.memref_slice %arg6[%dma_wait3A_582, %dma_wait3A_583] : memref<320x128xf32, #tpu.memory_space<vmem>> -> memref<80x128xf32, #tpu.memory_space<vmem>>
      %dma_wait3A_585 = arith.constant 0 : i32
      %dma_wait3A_586 = arith.constant 0 : i32
      %dma_wait3A_587 = tpu.memref_slice %arg7[%dma_wait3A_585, %dma_wait3A_586] : memref<8192x128xf32, #tpu.memory_space<vmem_shared>> -> memref<80x128xf32, #tpu.memory_space<vmem_shared>>
      tpu.wait_dma2 semaphore(%arg8 : memref<!tpu.dma_semaphore, #tpu.memory_space<semaphore_mem>>) src(%dma_wait3A_587 : memref<80x128xf32, #tpu.memory_space<vmem_shared>>) dst(%dma_wait3A_584 : memref<80x128xf32, #tpu.memory_space<vmem>>)
      %add3A_588 = arith.constant 160 : i32
      %add3A_589 = arith.addi %add3A_588, %mul3A_396 : i32
      %add3A_590 = arith.constant 3 : i32
      %add3A_591 = arith.addi %add3A_589, %add3A_590 : i32
      %mul3A_592 = arith.constant 80 : i32
      %mul3A_593 = arith.muli %add3A_591, %mul3A_592 : i32
      %add3A_594 = arith.addi %mul3A_2, %mul3A_593 : i32
      %dma_start3A_595 = arith.constant 240 : i32
      %dma_start3A_596 = arith.constant 0 : i32
      %dma_start3A_597 = tpu.memref_slice %arg6[%dma_start3A_595, %dma_start3A_596] : memref<320x128xf32, #tpu.memory_space<vmem>> -> memref<80x128xf32, #tpu.memory_space<vmem>>
      %dma_start3A_598 = arith.constant 0 : i32
      %dma_start3A_599 = tpu.memref_slice %arg4[%add3A_594, %dma_start3A_598] : memref<819200x128xf32, #tpu.memory_space<hbm>> -> memref<80x128xf32, #tpu.memory_space<hbm>>
      %dma_start3A_600 = arith.constant 0 : i32
      %dma_start3A_601 = tpu.memref_slice %arg4[%add3A_594, %dma_start3A_600] : memref<819200x128xf32, #tpu.memory_space<hbm>> -> memref<80x128xf32, #tpu.memory_space<hbm>>
      %dma_start3A_602 = arith.constant 240 : i32
      %dma_start3A_603 = arith.constant 0 : i32
      %dma_start3A_604 = tpu.memref_slice %arg6[%dma_start3A_602, %dma_start3A_603] : memref<320x128xf32, #tpu.memory_space<vmem>> -> memref<80x128xf32, #tpu.memory_space<vmem>>
      tpu.enqueue_dma source(%dma_start3A_604 : memref<80x128xf32, #tpu.memory_space<vmem>>) target(%dma_start3A_601 : memref<80x128xf32, #tpu.memory_space<hbm>>) target_semaphore(%arg9 : memref<!tpu.dma_semaphore, #tpu.memory_space<semaphore_mem>>)
    }
    %scan3A_345 = arith.constant 39 : i32
    %dma_wait3A_346 = arith.constant 0 : i32
    %dma_wait3A_347 = arith.constant 0 : i32
    %dma_wait3A_348 = tpu.memref_slice %arg6[%dma_wait3A_346, %dma_wait3A_347] : memref<320x128xf32, #tpu.memory_space<vmem>> -> memref<80x128xf32, #tpu.memory_space<vmem>>
    %dma_wait3A_349 = arith.constant 0 : i32
    %dma_wait3A_350 = arith.constant 0 : i32
    %dma_wait3A_351 = tpu.memref_slice %arg4[%dma_wait3A_349, %dma_wait3A_350] : memref<819200x128xf32, #tpu.memory_space<hbm>> -> memref<80x128xf32, #tpu.memory_space<hbm>>
    %dma_wait3A_352 = arith.constant 0 : i32
    %dma_wait3A_353 = arith.constant 0 : i32
    %dma_wait3A_354 = tpu.memref_slice %arg4[%dma_wait3A_352, %dma_wait3A_353] : memref<819200x128xf32, #tpu.memory_space<hbm>> -> memref<80x128xf32, #tpu.memory_space<hbm>>
    %dma_wait3A_355 = arith.constant 0 : i32
    %dma_wait3A_356 = arith.constant 0 : i32
    %dma_wait3A_357 = tpu.memref_slice %arg6[%dma_wait3A_355, %dma_wait3A_356] : memref<320x128xf32, #tpu.memory_space<vmem>> -> memref<80x128xf32, #tpu.memory_space<vmem>>
    tpu.wait_dma2 semaphore(%arg9 : memref<!tpu.dma_semaphore, #tpu.memory_space<semaphore_mem>>) src(%dma_wait3A_357 : memref<80x128xf32, #tpu.memory_space<vmem>>) dst(%dma_wait3A_354 : memref<80x128xf32, #tpu.memory_space<hbm>>)
    %dma_wait3A_358 = arith.constant 80 : i32
    %dma_wait3A_359 = arith.constant 0 : i32
    %dma_wait3A_360 = tpu.memref_slice %arg6[%dma_wait3A_358, %dma_wait3A_359] : memref<320x128xf32, #tpu.memory_space<vmem>> -> memref<80x128xf32, #tpu.memory_space<vmem>>
    %dma_wait3A_361 = arith.constant 0 : i32
    %dma_wait3A_362 = arith.constant 0 : i32
    %dma_wait3A_363 = tpu.memref_slice %arg4[%dma_wait3A_361, %dma_wait3A_362] : memref<819200x128xf32, #tpu.memory_space<hbm>> -> memref<80x128xf32, #tpu.memory_space<hbm>>
    %dma_wait3A_364 = arith.constant 0 : i32
    %dma_wait3A_365 = arith.constant 0 : i32
    %dma_wait3A_366 = tpu.memref_slice %arg4[%dma_wait3A_364, %dma_wait3A_365] : memref<819200x128xf32, #tpu.memory_space<hbm>> -> memref<80x128xf32, #tpu.memory_space<hbm>>
    %dma_wait3A_367 = arith.constant 80 : i32
    %dma_wait3A_368 = arith.constant 0 : i32
    %dma_wait3A_369 = tpu.memref_slice %arg6[%dma_wait3A_367, %dma_wait3A_368] : memref<320x128xf32, #tpu.memory_space<vmem>> -> memref<80x128xf32, #tpu.memory_space<vmem>>
    tpu.wait_dma2 semaphore(%arg9 : memref<!tpu.dma_semaphore, #tpu.memory_space<semaphore_mem>>) src(%dma_wait3A_369 : memref<80x128xf32, #tpu.memory_space<vmem>>) dst(%dma_wait3A_366 : memref<80x128xf32, #tpu.memory_space<hbm>>)
    %dma_wait3A_370 = arith.constant 160 : i32
    %dma_wait3A_371 = arith.constant 0 : i32
    %dma_wait3A_372 = tpu.memref_slice %arg6[%dma_wait3A_370, %dma_wait3A_371] : memref<320x128xf32, #tpu.memory_space<vmem>> -> memref<80x128xf32, #tpu.memory_space<vmem>>
    %dma_wait3A_373 = arith.constant 0 : i32
    %dma_wait3A_374 = arith.constant 0 : i32
    %dma_wait3A_375 = tpu.memref_slice %arg4[%dma_wait3A_373, %dma_wait3A_374] : memref<819200x128xf32, #tpu.memory_space<hbm>> -> memref<80x128xf32, #tpu.memory_space<hbm>>
    %dma_wait3A_376 = arith.constant 0 : i32
    %dma_wait3A_377 = arith.constant 0 : i32
    %dma_wait3A_378 = tpu.memref_slice %arg4[%dma_wait3A_376, %dma_wait3A_377] : memref<819200x128xf32, #tpu.memory_space<hbm>> -> memref<80x128xf32, #tpu.memory_space<hbm>>
    %dma_wait3A_379 = arith.constant 160 : i32
    %dma_wait3A_380 = arith.constant 0 : i32
    %dma_wait3A_381 = tpu.memref_slice %arg6[%dma_wait3A_379, %dma_wait3A_380] : memref<320x128xf32, #tpu.memory_space<vmem>> -> memref<80x128xf32, #tpu.memory_space<vmem>>
    tpu.wait_dma2 semaphore(%arg9 : memref<!tpu.dma_semaphore, #tpu.memory_space<semaphore_mem>>) src(%dma_wait3A_381 : memref<80x128xf32, #tpu.memory_space<vmem>>) dst(%dma_wait3A_378 : memref<80x128xf32, #tpu.memory_space<hbm>>)
    %dma_wait3A_382 = arith.constant 240 : i32
    %dma_wait3A_383 = arith.constant 0 : i32
    %dma_wait3A_384 = tpu.memref_slice %arg6[%dma_wait3A_382, %dma_wait3A_383] : memref<320x128xf32, #tpu.memory_space<vmem>> -> memref<80x128xf32, #tpu.memory_space<vmem>>
    %dma_wait3A_385 = arith.constant 0 : i32
    %dma_wait3A_386 = arith.constant 0 : i32
    %dma_wait3A_387 = tpu.memref_slice %arg4[%dma_wait3A_385, %dma_wait3A_386] : memref<819200x128xf32, #tpu.memory_space<hbm>> -> memref<80x128xf32, #tpu.memory_space<hbm>>
    %dma_wait3A_388 = arith.constant 0 : i32
    %dma_wait3A_389 = arith.constant 0 : i32
    %dma_wait3A_390 = tpu.memref_slice %arg4[%dma_wait3A_388, %dma_wait3A_389] : memref<819200x128xf32, #tpu.memory_space<hbm>> -> memref<80x128xf32, #tpu.memory_space<hbm>>
    %dma_wait3A_391 = arith.constant 240 : i32
    %dma_wait3A_392 = arith.constant 0 : i32
    %dma_wait3A_393 = tpu.memref_slice %arg6[%dma_wait3A_391, %dma_wait3A_392] : memref<320x128xf32, #tpu.memory_space<vmem>> -> memref<80x128xf32, #tpu.memory_space<vmem>>
    tpu.wait_dma2 semaphore(%arg9 : memref<!tpu.dma_semaphore, #tpu.memory_space<semaphore_mem>>) src(%dma_wait3A_393 : memref<80x128xf32, #tpu.memory_space<vmem>>) dst(%dma_wait3A_390 : memref<80x128xf32, #tpu.memory_space<hbm>>)
    return
  }
}

</mosaic_0001>

<sc_bundles>
// kernel: _gather.3.cloned.1.call-start
scs
__scs_entry_jumppad:
0x0: {  	(pc) =	sbr.rel $0x88, $3  }
0x1: {  	(tag) =	ssettag $0x0;
	lr =	simm.s32 $0x1  }
0x2: {  	[smem:$0x3F9F] =	sst lr;
	_ =	strace $0xD0000000  }
0x3: {  	_ = 	snop  }
0x4: {  	_ = 	snop  }
0x5: {  	_ = 	snop  }
0x6: {  	_ = 	snop  }
0x7: {  	_ = 	snop  }
__scs_overlays_trampoline_lowered:
0x8: {  	[smem:$0x3FAE] =	sst s0  }
0x9: {  	[smem:$0x3FAF] =	sst s1  }
0xa: {  	[smem:$0x3FB0] =	sst s2  }
0xb: {  	[smem:$0x3FB1] =	sst s3  }
0xc: {  	[smem:$0x3FB2] =	sst s4  }
0xd: {  	[smem:$0x3FB3] =	sst s5  }
0xe: {  	[smem:$0x3FB4] =	sst s6  }
0xf: {  	[smem:$0x3FB5] =	sst s7  }
0x10: {  	[smem:$0x3FB6] =	sst s8  }
0x11: {  	[smem:$0x3FB7] =	sst s9;
	s0 =	simm.s32 @!p0 $0x0  }
0x12: {  	s1 =	sld [smem:$0x3F9D];
	s0 =	simm.s32 @p0 $0x1  }
0x13: {  	[smem:$0x3FB8] =	sst s0;
	s0 =	simm.s32 @!p1 $0x0  }
0x14: {  	s2 =	sld [smem:$0x3F9C];
	s0 =	simm.s32 @p1 $0x1  }
0x15: {  	[smem:$0x3FB9] =	sst s0;
	s0 =	simm.s32 @!p2 $0x0  }
0x16: {  	s3 =	sld [smem:$0x3FDB];
	s0 =	simm.s32 @p2 $0x1  }
0x17: {  	s4 =	simm.s32 $0x1BF5;
	[smem:$0x3FBB] =	sst s0  }
0x18: {  	s0 =	sld [smem:$0x3F9E];
	_ =	swait.ge [sflag:s4], $0x0  }
0x19: {  	s7 =	sld [smem:$0x3F9F]  }
0x1a: {  	s8 =	sadd.s32 $0xFFFFE003, lr  }
0x1b: {  	s9 =	sadd.s32 $0xFFFFFEF7, lr;
	s5 =	simm.s32 $0xFFFFFFFF;
	p2 =	slt.u32 s8, $0xFFFFF086  }
0x1c: {  	p1 =	slt.u32 s9, $0xF7A;
	s5 =	simm.s32 @!p2 $0x0  }
0x1d: {  	s5 =	simm.s32 @p1 $0x1;
	p0 =	seq.s32 s7, s2  }
0x1e: {  	s7 =	smul.u32 @!p0 $0xF7A, s2;
	p2 =	seq.s32 @!p0 s5, $0x0  }
0x1f: {  	s9 =	smul.u32 $0xF7A, s1;
	s8 =	simm.s32 @!p0 $0x1BF5;
	p2 =	por !p2, p0  }
0x20: {  	[sflag:s8] =	ssyncset.s32 @!p0 $0xFFFFF086;
	s6 =	sadd.s32 @!p0 s3, s7;
	s7 =	simm.s32 @!p0 $0x108  }
0x21: {  	s3 =	sadd.s32 s3, s9;
	s6 =	sadd.s32 @!p0 $0x88, s6;
	s7 =	simm.s32 @p2 $0x1082  }
0x22: {  	[simem:s7], [sflag:s8] =	dma.local @!p0 [hbm:s6], $0xF7A  }
0x23: {  	s9 =	sor.u32 $0xD0000000, s2;
	s6 =	simm.s32 $0x108;
	_ =	swait.ge @!p0 [sflag:s8], $0x0  }
0x24: {  	s3 =	sadd.s32 $0x88, s3;
	s6 =	simm.s32 @!p1 $0x1082;
	[sflag:s4] =	ssyncset.s32 $0xFFFFF086  }
0x25: {  	[simem:s6], [sflag:s4] =	dma.local [hbm:s3], $0xF7A  }
0x26: {  	[smem:$0x3F9F] =	sst s1;
	(tag) =	ssettag s2;
	_ =	strace s9  }
0x27: {  	s1 =	sld [smem:$0x3FAF]  }
0x28: {  	s2 =	sld [smem:$0x3FB0]  }
0x29: {  	s4 =	sld [smem:$0x3FB2]  }
0x2a: {  	p0 =	seq.s32 s5, $0x0;
	s5 =	sld [smem:$0x3FB3]  }
0x2b: {  	s6 =	sld [smem:$0x3FB4]  }
0x2c: {  	s7 =	sld [smem:$0x3FB5]  }
0x2d: {  	s3 =	simm.s32 $0x108;
	s8 =	sld [smem:$0x3FB6]  }
0x2e: {  	s3 =	simm.s32 @!p0 $0x1082;
	s9 =	sld [smem:$0x3FB7]  }
0x2f: {  	lr =	sadd.s32 s0, s3;
	s0 =	sld [smem:$0x3FAE]  }
0x30: {  	s3 =	sld [smem:$0x3FB1]  }
0x31: {  	[smem:$0x3FBA] =	sst s10  }
0x32: {  	s10 =	sld [smem:$0x3FB8];
	_ =	sdelay $0x3  }
0x33: {  	p0 =	seq.s32 s10, $0x1;
	s10 =	sld [smem:$0x3FBA];
	_ =	sdelay $0x3  }
0x34: {  	[smem:$0x3FBA] =	sst s10  }
0x35: {  	s10 =	sld [smem:$0x3FB9];
	_ =	sdelay $0x3  }
0x36: {  	p1 =	seq.s32 s10, $0x1;
	s10 =	sld [smem:$0x3FBA];
	_ =	sdelay $0x3  }
0x37: {  	[smem:$0x3FBA] =	sst s10  }
0x38: {  	s10 =	sld [smem:$0x3FBB]  }
0x39: {  	_ = 	snop;
	(pc) =	sbr.ind lr, $3  }
0x3a: {  	_ = 	snop  }
0x3b: {  	_ = 	snop  }
0x3c: {  	p2 =	seq.s32 s10, $0x1;
	s10 =	sld [smem:$0x3FBA]  }
0x3d: {  	_ =	shalt  }
0x3e: {  	_ =	shalt  }
0x3f: {  	_ =	shalt  }
0x40: {  	_ =	shalt  }
0x41: {  	_ =	shalt  }
0x42: {  	_ =	shalt  }
0x43: {  	_ =	shalt  }
0x44: {  	_ =	shalt  }
0x45: {  	_ =	shalt  }
0x46: {  	_ =	shalt  }
0x47: {  	_ =	shalt  }
0x48: {  	_ =	shalt  }
0x49: {  	_ =	shalt  }
0x4a: {  	_ =	shalt  }
0x4b: {  	_ =	shalt  }
0x4c: {  	_ =	shalt  }
0x4d: {  	_ =	shalt  }
0x4e: {  	_ =	shalt  }
0x4f: {  	_ =	shalt  }
0x50: {  	_ =	shalt  }
0x51: {  	_ =	shalt  }
0x52: {  	_ =	shalt  }
0x53: {  	_ =	shalt  }
0x54: {  	_ =	shalt  }
0x55: {  	_ =	shalt  }
0x56: {  	_ =	shalt  }
0x57: {  	_ =	shalt  }
0x58: {  	_ =	shalt  }
0x59: {  	_ =	shalt  }
0x5a: {  	_ =	shalt  }
0x5b: {  	_ =	shalt  }
0x5c: {  	_ =	shalt  }
0x5d: {  	_ =	shalt  }
0x5e: {  	_ =	shalt  }
0x5f: {  	_ =	shalt  }
0x60: {  	_ =	shalt  }
0x61: {  	_ =	shalt  }
0x62: {  	_ =	shalt  }
0x63: {  	_ =	shalt  }
0x64: {  	_ =	shalt  }
0x65: {  	_ =	shalt  }
0x66: {  	_ =	shalt  }
0x67: {  	_ =	shalt  }
0x68: {  	_ =	shalt  }
0x69: {  	_ =	shalt  }
0x6a: {  	_ =	shalt  }
0x6b: {  	_ =	shalt  }
0x6c: {  	_ =	shalt  }
0x6d: {  	_ =	shalt  }
0x6e: {  	_ =	shalt  }
0x6f: {  	_ =	shalt  }
0x70: {  	_ =	shalt  }
0x71: {  	_ =	shalt  }
0x72: {  	_ =	shalt  }
0x73: {  	_ =	shalt  }
0x74: {  	_ =	shalt  }
0x75: {  	_ =	shalt  }
0x76: {  	_ =	shalt  }
0x77: {  	_ =	shalt  }
0x78: {  	_ =	shalt  }
0x79: {  	_ =	shalt  }
0x7a: {  	_ =	shalt  }
0x7b: {  	_ =	shalt  }
0x7c: {  	_ =	shalt  }
0x7d: {  	_ =	shalt  }
0x7e: {  	_ =	shalt  }
0x7f: {  	_ =	shalt  }
0x80: {  	_ =	shalt  }
0x81: {  	_ =	shalt  }
0x82: {  	_ =	shalt  }
0x83: {  	_ =	shalt  }
0x84: {  	_ =	shalt  }
0x85: {  	_ =	shalt  }
0x86: {  	_ =	shalt  }
0x87: {  	_ =	shalt  }
.Lfunc_end0:
.L_simem_size_0:
called_computation_lowered:
.L_overlay_start_0:
0x88: {  	s2 =	sld [smem:$0x3FD9]  }
0x89: {  	s3 =	sld [smem:$0x3FFE];
	_ =	sdelay $0x1  }
0x8a: {  	s1 =	srdreg.scid  }
0x8b: {  	s0 =	sand.u32 $0x1, s1  }
0x8c: {  	s18 =	sshll.u32 s0, $0xA;
	s2 =	sadd.s32 s3, s2  }
0x8d: {  	s2 =	sadd.s32 s2, s18  }
0x8e: {  	[smem:$0x3FC6] =	sst s2  }
0x8f: {  	_ = 	snop  }
0x90: {  	s2 =	sld [smem:$0x3FC9]  }
0x91: {  	s19 =	sld [smem:$0x3FC8]  }
0x92: {  	s4 =	sld [smem:$0x3FD0];
	(tm) =	ssettm $0x1  }
0x93: {  	s5 =	sld [smem:$0x3FFB];
	_ =	sdelay $0x3  }
0x94: {  	_ =	strace s5  }
0x95: {  	s5 =	sld [smem:$0x3FFC];
	_ =	sdelay $0x3  }
0x96: {  	_ =	strace s5  }
0x97: {  	s5 =	sld [smem:$0x3FFD];
	_ =	sdelay $0x3  }
0x98: {  	_ =	strace s5  }
0x99: {  	_ =	strace $0x8FFFFFFF  }
0x9a: {  	s20 =	sld [smem:$0x3FDB];
	_ =	sdelay $0x1  }
0x9b: {  	s6 =	simm.s32 $_scs_section_size  }
0x9c: {  	s7 =	simm.s32 $_size__tile_overlayer_lowered;
	s8 =	simm.s32 $_tile_overlayer_lowered  }
0x9d: {  	s23 =	simm.s32 $0x1BFF;
	s22 =	sshll.u32 s8, $0x1;
	s5 =	sadd.s32 s6, s20  }
0x9e: {  	s9 =	simm.s32 $0x0;
	s21 =	sshll.u32 s7, $0x1;
	s7 =	sadd.s32 s22, s5  }
0x9f: {  	[timem:s9], [sflag:s23] =	dma.local [hbm:s7], s21  }
0xa0: {  	_ =	swait.ge [sflag:s23], s21  }
0xa1: {  	s6 =	ssub.s32 $0x0, s21;
	[sflag:s23] =	ssyncset.done $0x0  }
0xa2: {  	[sflag:s23] =	ssyncadd.s32 s6;
	_ =	sdelay $0x1  }
0xa3: {  	s24 =	simm.s32 $0x1B8B  }
0xa4: {  	_ =	swait.ge [sflag:s24], $0x1  }
0xa5: {  	[sflag:s24] =	ssyncset.done $0x0  }
0xa6: {  	s25 =	simm.s32 $0x1B8E;
	[sflag:s24] =	ssyncadd.s32 $0xFFFFFFFF  }
0xa7: {  	s26 =	simm.s32 $execute0_lowered;
	[smem:$0x3FD2] =	sst s25  }
0xa8: {  	s6 =	sshll.u32 s26, $0x1;
	_ =	strace $0x80000046;
	[dreg:$0x1] =	wrdreg $0xFFFFFFFF  }
0xa9: {  	s28 =	simm.s32 $_size_execute0_lowered;
	s5 =	sadd.s32 s5, s6;
	[dreg:$0x0] =	wrdreg $0x0  }
0xaa: {  	s6 =	sshll.u32 s28, $0x1;
	[dreg:$0x2] =	wrdreg s5  }
0xab: {  	[dreg:$0x3] =	wrdreg s6  }
0xac: {  	[dreg:$0x4] =	wrdreg $0xC0  }
0xad: {  	_ =	task [dreg:s9], $0x5FFFF  }
0xae: {  	[dreg:$0x1] =	wrdreg $0xFFFFFFFF  }
0xaf: {  	[dreg:$0x0] =	wrdreg $0x60  }
0xb0: {  	[dreg:$0x2] =	wrdreg s2  }
0xb1: {  	[dreg:$0x3] =	wrdreg s19  }
0xb2: {  	[dreg:$0x4] =	wrdreg s4  }
0xb3: {  	[dreg:$0x5] =	wrdreg $0xF0000  }
0xb4: {  	[dreg:$0x6] =	wrdreg $0x9  }
0xb5: {  	_ =	task.clear_ibuf [dreg:s9], $0x7FFFF;
	_ =	strace $0x90000046  }
0xb6: {  	s29 =	simm.s32 $0x9;
	_ =	strace $0x80000048  }
0xb7: {  	_ =	swait.ge [sflag:s29], $0x1  }
0xb8: {  	[sflag:s29] =	ssyncadd.s32 $0xFFFFFFFF  }
0xb9: {  	_ =	strace $0x90000048  }
0xba: {  	_ =	sfence  }
0xbb: {  	s30 =	sld [smem:$0x0];
	_ =	sdelay $0x2  }
0xbc: {  	s31 =	sshll.u32 s1, $0xD;
	s1 =	sshrl.u32 s1, $0x2  }
0xbd: {  	s3 =	sand.u32 $0x4000, s31;
	s1 =	sadd.s32 s1, s30  }
0xbe: {  	s0 =	sor.u32 s3, s0;
	s1 =	sshll.u32 s1, $0x11  }
0xbf: {  	s0 =	sor.u32 s1, s0  }
0xc0: {  	s0 =	sadd.s32 $0x8F2B, s0  }
0xc1: {  	[sflag:s0] =	ssyncadd.remote.s32 $0x1  }
0xc2: {  	_ =	sfence.sel $0xFFFF  }
0xc3: {  	[dreg:$0x0] =	wrdreg $0xFFFFFFFF;
	(pc) =	sbr.abs _section_cstart, $3  }
0xc4: {  	[dreg:$0x1] =	wrdreg $0xFFFFFFFF  }
0xc5: {  	_ =	task.clear_ibuf [dreg:s9], $0x2FFFF;
	_ =	strace $0x9FFFFFFF  }
0xc6: {  	(tm) =	ssettm $0x7FFFFFFF  }
0xc7: {  	_ =	shalt  }
tec
execute0_lowered:
.L_overlay_start_1:
0x0: {  	(tag) =	ssettag $0x1  }
0x1: {  	s11 =	rddreg [dreg:$0x0]  }
0x2: {  	s0 =	rddreg [dreg:$0x1]  }
0x3: {  	s1 =	rddreg [dreg:$0x2]  }
0x4: {  	s2 =	rddreg [dreg:$0x3]  }
0x5: {  	s3 =	simm.s32 $0x0;
	s4 =	srdreg.scid;
	s5 =	stileid.u32  }
0x6: {  	s28 =	simm.s32 $0x100;
	s29 =	simm.s32 $0xA000;
	s30 =	simm.s32 $0x180  }
0x7: {  	s31 =	simm.s32 $0xC800;
	[smem:$0x7FF] =	sst s3;
	s4 =	sand.u32 $0x1, s4  }
0x8: {  	s8 =	sshll.u32 s5, $0x1;
	s9 =	sshll.u32 s5, $0x10;
	s15 =	sshll.u32 s5, $0xD  }
0x9: {  	s17 =	sadd.s32 $0x20000, s11;
	s18 =	sadd.s32 $0xFFF80, s2;
	s21 =	sadd.s32 $0x380, s2  }
0xa: {  	s19 =	sadd.s32 $0x80, s11;
	s25 =	smul.u32 $0xC8000, s5;
	p0 =	sne.s32 s5, $0x0  }
0xb: {  	_ =	strace $0x80000047;
	s6 =	ssub.s32 $0x2, s4;
	[dreg:$0x6] =	wrdreg s17  }
0xc: {  	s13 =	sor.u32 s4, s8;
	s14 =	sadd.s32 s9, s2;
	[dreg:$0x7] =	wrdreg s18  }
0xd: {  	s8 =	sadd.s32 s11, s15;
	[dreg:$0x8] =	wrdreg s19;
	s26 =	smul.u32 $0x64000, s4  }
0xe: {  	s4 =	sshll.u32 @p0 s5, $0x6;
	p1 =	sne.s32 @p0 s5, $0xF;
	s21 =	sshrl.u32 @!p0 s21, $0x3  }
0xf: {  	s7 =	sshrl.u32 s6, $0x1;
	s20 =	sadd.s32 $0xFFFFFF80, s14;
	s16 =	smul.u32 $0x64000, s13  }
0x10: {  	[dreg:$0x5] =	wrdreg s8;
	s10 =	smul.u32 $0x320000, s13;
	s19 =	sor.u32 @p0 $0x1C03, s4  }
0x11: {  	p1 =	por p1, !p0;
	s6 =	ssub.s32 s6, s7;
	s7 =	smul.u32 $0x1400, s13  }
0x12: {  	s4 =	simm.s32 $0x0;
	s20 =	sshrl.u32 @p0 s20, $0x3;
	s8 =	sadd.s32 s1, s16  }
0x13: {  	s22 =	sshrl.u32 s10, $0x3;
	s17 =	smax.u32 s6, $0x1;
	s9 =	sadd.s32 s0, s7  }
0x14: {  	s23 =	sadd.s32 $0x500, s8;
	s24 =	sadd.s32 s1, s22;
	s11 =	sadd.s32 $0xA00, s8  }
0x15: {  	s12 =	sadd.s32 $0xF00, s8;
	s1 =	sadd.s32 s25, s1;
	s22 =	simm.s32 $0x3  }
0x16: {  	s25 =	simm.s32 $0x80;
	s0 =	simm.s32 $0x1;
	[dreg:$0x9] =	wrdreg s23  }
0x17: {  	s13 =	sadd.s32 $0x32000, s24;
	s14 =	sadd.s32 $0x32500, s24;
	s15 =	sadd.s32 $0x32A00, s24  }
0x18: {  	s16 =	sadd.s32 $0x32F00, s24;
	s18 =	sadd.s32 s26, s1;
	s23 =	simm.s32 $0x50  }
0x19: {  	s24 =	simm.s32 $0x5000;
	s26 =	simm.s32 $0x7800;
	s1 =	simm.s32 $0x2  }
.LBB2_1:
0x1a: {  	s5 =	rddreg [dreg:$0x5]  }
0x1b: {  	[spmem:s20], [sflag:s19] =	dma.local @p0 [hbm:s5], $0x2000  }
0x1c: {  	s5 =	simm.s32 @p0 $0x3  }
0x1d: {  	_ =	swait.ge @p0 [sflag:s5], $0x2000  }
0x1e: {  	s6 =	simm.s32 @!p1 $0x5000;
	[sflag:s5] =	ssyncset.done @p0 $0x0  }
0x1f: {  	s7 =	rddreg [dreg:$0x6];
	[sflag:s5] =	ssyncadd.s32 @p0 $0xFFFFE000;
	s5 =	simm.s32 @!p1 $0x0  }
0x20: {  	[tilespmem:s6], [sflag:$0x3] =	stream.linear.gather @!p1 [hbm4b:s7+s5], $0x80, $0x38;
	[tilespmem:$0x1F000] =	vst v63  }
0x21: {  	s5 =	simm.s32 @!p1 $0x3  }
0x22: {  	_ =	swait.ge @!p1 [sflag:s5], $0x80  }
0x23: {  	[sflag:s5] =	ssyncset.done @!p1 $0x0  }
0x24: {  	s7 =	rddreg [dreg:$0x7];
	[sflag:s5] =	ssyncadd.s32 @!p1 $0xFFFFFF80  }
0x25: {  	[spmem:s7] =	stream.linear.scatter @!p1 [tilespmem:s6], [sflag:$0x3], $0x80, $0x38;
	[tilespmem:$0x1F000] =	vst v63  }
0x26: {  	_ =	swait.ge @!p1 [sflag:s5], $0x80  }
0x27: {  	[sflag:s5] =	ssyncset.done @!p1 $0x0  }
0x28: {  	s6 =	rddreg [dreg:$0x8];
	[sflag:s5] =	ssyncadd.s32 @!p1 $0xFFFFFF80;
	s5 =	simm.s32 @!p0 $0x1C03  }
0x29: {  	[spmem:s21], [sflag:s5] =	dma.local @!p0 [hbm:s6], $0x1F80  }
0x2a: {  	s5 =	simm.s32 @!p0 $0x3  }
0x2b: {  	_ =	swait.ge @!p0 [sflag:s5], $0x1F80  }
0x2c: {  	[sflag:s5] =	ssyncset.done @!p0 $0x0  }
0x2d: {  	[sflag:s5] =	ssyncadd.s32 @!p0 $0xFFFFE080  }
0x2e: {  	s7 =	simm.s32 @!p0 $0x5000;
	s6 =	simm.s32 @!p0 $0x0;
	s10 =	rddreg [dreg:$0x0]  }
0x2f: {  	[tilespmem:s7], [sflag:$0x3] =	stream.linear.gather @!p0 [hbm4b:s10+s6], $0x400, $0x38;
	[tilespmem:$0x1F000] =	vst v63  }
0x30: {  	_ =	swait.ge @!p0 [sflag:s5], $0x400  }
0x31: {  	[sflag:s5] =	ssyncset.done @!p0 $0x0  }
0x32: {  	s6 =	simm.s32 @!p0 $0x5080;
	[sflag:s5] =	ssyncadd.s32 @!p0 $0xFFFFFC00  }
0x33: {  	[spmem:s2] =	stream.linear.scatter @!p0 [tilespmem:s6], [sflag:$0x3], $0x380, $0x38;
	[tilespmem:$0x1F000] =	vst v63  }
0x34: {  	_ =	swait.ge @!p0 [sflag:s5], $0x380  }
0x35: {  	[sflag:s5] =	ssyncset.done @!p0 $0x0  }
0x36: {  	[sflag:s5] =	ssyncadd.s32 @!p0 $0xFFFFFC80  }
0x37: {  	[bflag:$0x0] =	sbarrier.arrive $0xFFFF  }
0x38: {  	[tilespmem:s3], [sflag:$0x3] =	stream.linear.gather [hbm4b:s9+s3], $0x5000, $0x38;
	[tilespmem:$0x1F000] =	vst v63  }
0x39: {  	_ =	swait.ge [sflag:s22], $0x5000  }
0x3a: {  	[sflag:s22] =	ssyncset.done $0x0  }
0x3b: {  	[sflag:s22] =	ssyncadd.s32 $0xFFFFB000  }
0x3c: {  	[tilespmem:s24], [sflag:$0x1] =	stream.indirect.gather [spmem:s2], $0x80, s3, s23, $0xb8;
	[tilespmem:$0x1F000] =	vst v63  }
0x3d: {  	_ = 	snop  }
0x3e: {  	[tilespmem:s26], [sflag:$0x1] =	stream.indirect.gather [spmem:s2], $0x80, s25, s23, $0xb8;
	[tilespmem:$0x1F000] =	vst v63  }
0x3f: {  	_ = 	snop  }
0x40: {  	[tilespmem:s29], [sflag:$0x1] =	stream.indirect.gather [spmem:s2], $0x80, s28, s23, $0xb8;
	[tilespmem:$0x1F000] =	vst v63  }
0x41: {  	_ = 	snop  }
0x42: {  	[tilespmem:s31], [sflag:$0x1] =	stream.indirect.gather [spmem:s2], $0x80, s30, s23, $0xb8;
	[tilespmem:$0x1F000] =	vst v63  }
0x43: {  	_ =	swait.ge [sflag:s0], $0x2800  }
0x44: {  	[sflag:s0] =	ssyncset.done $0x0  }
0x45: {  	[sflag:s0] =	ssyncadd.s32 $0xFFFFD800  }
0x46: {  	[hbm4b:s8+s3] =	stream.linear.scatter [tilespmem:s24], [sflag:$0x2], $0x2800, $0x38;
	[tilespmem:$0x1F000] =	vst v63  }
0x47: {  	_ =	swait.ge [sflag:s0], $0x2800  }
0x48: {  	[sflag:s0] =	ssyncset.done $0x0  }
0x49: {  	s6 =	rddreg [dreg:$0x9];
	[sflag:s0] =	ssyncadd.s32 $0xFFFFD800  }
0x4a: {  	[hbm4b:s6+s3] =	stream.linear.scatter [tilespmem:s26], [sflag:$0x2], $0x2800, $0x38;
	[tilespmem:$0x1F000] =	vst v63  }
0x4b: {  	_ =	swait.ge [sflag:s0], $0x2800  }
0x4c: {  	[sflag:s0] =	ssyncset.done $0x0  }
0x4d: {  	[sflag:s0] =	ssyncadd.s32 $0xFFFFD800  }
0x4e: {  	[hbm4b:s11+s3] =	stream.linear.scatter [tilespmem:s29], [sflag:$0x2], $0x2800, $0x38;
	[tilespmem:$0x1F000] =	vst v63  }
0x4f: {  	_ =	swait.ge [sflag:s0], $0x2800  }
0x50: {  	[sflag:s0] =	ssyncset.done $0x0  }
0x51: {  	[sflag:s0] =	ssyncadd.s32 $0xFFFFD800  }
0x52: {  	[hbm4b:s12+s3] =	stream.linear.scatter [tilespmem:s31], [sflag:$0x2], $0x2800, $0x38;
	[tilespmem:$0x1F000] =	vst v63  }
0x53: {  	_ =	swait.ge [sflag:s1], $0x2800  }
0x54: {  	[sflag:s1] =	ssyncset.done $0x0  }
0x55: {  	s7 =	simm.s32 $0x200;
	[sflag:s1] =	ssyncadd.s32 $0xFFFFD800  }
0x56: {  	[tilespmem:s24], [sflag:$0x1] =	stream.indirect.gather [spmem:s2], $0x80, s7, s23, $0xb8;
	[tilespmem:$0x1F000] =	vst v63  }
0x57: {  	_ =	swait.ge [sflag:s1], $0x2800  }
0x58: {  	[sflag:s1] =	ssyncset.done $0x0  }
0x59: {  	s10 =	simm.s32 $0x280;
	[sflag:s1] =	ssyncadd.s32 $0xFFFFD800  }
0x5a: {  	[tilespmem:s26], [sflag:$0x1] =	stream.indirect.gather [spmem:s2], $0x80, s10, s23, $0xb8;
	[tilespmem:$0x1F000] =	vst v63  }
0x5b: {  	_ =	swait.ge [sflag:s1], $0x2800  }
0x5c: {  	[sflag:s1] =	ssyncset.done $0x0  }
0x5d: {  	s6 =	simm.s32 $0x300;
	[sflag:s1] =	ssyncadd.s32 $0xFFFFD800  }
0x5e: {  	[tilespmem:s29], [sflag:$0x1] =	stream.indirect.gather [spmem:s2], $0x80, s6, s23, $0xb8;
	[tilespmem:$0x1F000] =	vst v63  }
0x5f: {  	_ =	swait.ge [sflag:s1], $0x2800  }
0x60: {  	[sflag:s1] =	ssyncset.done $0x0  }
0x61: {  	s7 =	simm.s32 $0x380;
	[sflag:s1] =	ssyncadd.s32 $0xFFFFD800  }
0x62: {  	[tilespmem:s31], [sflag:$0x1] =	stream.indirect.gather [spmem:s2], $0x80, s7, s23, $0xb8;
	[tilespmem:$0x1F000] =	vst v63  }
0x63: {  	_ =	swait.ge [sflag:s0], $0x2800  }
0x64: {  	s6 =	sadd.s32 $0x0, s18;
	[sflag:s0] =	ssyncset.done $0x0  }
0x65: {  	s10 =	sadd.s32 $0x1400, s6;
	[sflag:s0] =	ssyncadd.s32 $0xFFFFD800  }
0x66: {  	[hbm4b:s10+s3] =	stream.linear.scatter [tilespmem:s24], [sflag:$0x2], $0x2800, $0x38;
	[tilespmem:$0x1F000] =	vst v63  }
0x67: {  	_ =	swait.ge [sflag:s0], $0x2800  }
0x68: {  	[sflag:s0] =	ssyncset.done $0x0  }
0x69: {  	s7 =	sadd.s32 $0x1900, s6;
	[sflag:s0] =	ssyncadd.s32 $0xFFFFD800  }
0x6a: {  	[hbm4b:s7+s3] =	stream.linear.scatter [tilespmem:s26], [sflag:$0x2], $0x2800, $0x38;
	[tilespmem:$0x1F000] =	vst v63  }
0x6b: {  	_ =	swait.ge [sflag:s0], $0x2800  }
0x6c: {  	[sflag:s0] =	ssyncset.done $0x0  }
0x6d: {  	s10 =	sadd.s32 $0x1E00, s6;
	[sflag:s0] =	ssyncadd.s32 $0xFFFFD800  }
0x6e: {  	[hbm4b:s10+s3] =	stream.linear.scatter [tilespmem:s29], [sflag:$0x2], $0x2800, $0x38;
	[tilespmem:$0x1F000] =	vst v63  }
0x6f: {  	_ =	swait.ge [sflag:s0], $0x2800  }
0x70: {  	s5 =	simm.s32 $0x1400;
	[sflag:s0] =	ssyncset.done $0x0  }
0x71: {  	s7 =	sadd.s32 $0x2300, s6;
	s6 =	simm.s32 $0x400;
	[sflag:s0] =	ssyncadd.s32 $0xFFFFD800  }
.LBB2_2:
0x72: {  	[hbm4b:s7+s3] =	stream.linear.scatter [tilespmem:s31], [sflag:$0x2], $0x2800, $0x38;
	[tilespmem:$0x1F000] =	vst v63  }
0x73: {  	s7 =	smov.u32 s5  }
0x74: {  	p2 =	sne.s32 s5, $0x2F800;
	s5 =	sadd.s32 $0x1400, s5;
	_ =	swait.ge [sflag:s1], $0x2800  }
0x75: {  	[sflag:s1] =	ssyncset.done $0x0  }
0x76: {  	[sflag:s1] =	ssyncadd.s32 $0xFFFFD800  }
0x77: {  	[tilespmem:s24], [sflag:$0x1] =	stream.indirect.gather [spmem:s2], $0x80, s6, s23, $0xb8;
	[tilespmem:$0x1F000] =	vst v63  }
0x78: {  	_ =	swait.ge [sflag:s1], $0x2800  }
0x79: {  	[sflag:s1] =	ssyncset.done $0x0  }
0x7a: {  	s10 =	sadd.s32 $0x80, s6;
	[sflag:s1] =	ssyncadd.s32 $0xFFFFD800  }
0x7b: {  	[tilespmem:s26], [sflag:$0x1] =	stream.indirect.gather [spmem:s2], $0x80, s10, s23, $0xb8;
	[tilespmem:$0x1F000] =	vst v63  }
0x7c: {  	_ =	swait.ge [sflag:s1], $0x2800  }
0x7d: {  	[sflag:s1] =	ssyncset.done $0x0  }
0x7e: {  	s10 =	sadd.s32 $0x100, s6;
	[sflag:s1] =	ssyncadd.s32 $0xFFFFD800  }
0x7f: {  	[tilespmem:s29], [sflag:$0x1] =	stream.indirect.gather [spmem:s2], $0x80, s10, s23, $0xb8;
	[tilespmem:$0x1F000] =	vst v63  }
0x80: {  	_ =	swait.ge [sflag:s1], $0x2800  }
0x81: {  	[sflag:s1] =	ssyncset.done $0x0  }
0x82: {  	s10 =	sadd.s32 $0x180, s6;
	[sflag:s1] =	ssyncadd.s32 $0xFFFFD800  }
0x83: {  	[tilespmem:s31], [sflag:$0x1] =	stream.indirect.gather [spmem:s2], $0x80, s10, s23, $0xb8;
	[tilespmem:$0x1F000] =	vst v63  }
0x84: {  	_ =	swait.ge [sflag:s0], $0x2800  }
0x85: {  	s7 =	sadd.s32 s7, s18;
	[sflag:s0] =	ssyncset.done $0x0  }
0x86: {  	s10 =	sadd.s32 $0x1400, s7;
	[sflag:s0] =	ssyncadd.s32 $0xFFFFD800  }
0x87: {  	[hbm4b:s10+s3] =	stream.linear.scatter [tilespmem:s24], [sflag:$0x2], $0x2800, $0x38;
	[tilespmem:$0x1F000] =	vst v63  }
0x88: {  	_ =	swait.ge [sflag:s0], $0x2800  }
0x89: {  	[sflag:s0] =	ssyncset.done $0x0  }
0x8a: {  	s10 =	sadd.s32 $0x1900, s7;
	[sflag:s0] =	ssyncadd.s32 $0xFFFFD800  }
0x8b: {  	[hbm4b:s10+s3] =	stream.linear.scatter [tilespmem:s26], [sflag:$0x2], $0x2800, $0x38;
	[tilespmem:$0x1F000] =	vst v63  }
0x8c: {  	_ =	swait.ge [sflag:s0], $0x2800  }
0x8d: {  	[sflag:s0] =	ssyncset.done $0x0  }
.Ltmp0:
0x8e: {  	s10 =	sadd.s32 $0x1E00, s7;
	[sflag:s0] =	ssyncadd.s32 $0xFFFFD800;
	(pc) =	sbr.rel @p2 .LBB2_2-.Ltmp0, $4  }
0x8f: {  	[hbm4b:s10+s3] =	stream.linear.scatter [tilespmem:s29], [sflag:$0x2], $0x2800, $0x38;
	[tilespmem:$0x1F000] =	vst v63  }
0x90: {  	_ =	swait.ge [sflag:s0], $0x2800  }
0x91: {  	[sflag:s0] =	ssyncset.done $0x0  }
0x92: {  	s6 =	sadd.s32 $0x200, s6;
	s7 =	sadd.s32 $0x2300, s7;
	[sflag:s0] =	ssyncadd.s32 $0xFFFFD800  }
0x93: {  	[hbm4b:s7+s3] =	stream.linear.scatter [tilespmem:s31], [sflag:$0x2], $0x2800, $0x38;
	[tilespmem:$0x1F000] =	vst v63  }
0x94: {  	s5 =	sadd.s32 $0xA00, s9;
	s6 =	simm.s32 $0x0  }
0x95: {  	[tilespmem:s6], [sflag:$0x3] =	stream.linear.gather [hbm4b:s5+s6], $0x5000, $0x38;
	[tilespmem:$0x1F000] =	vst v63  }
0x96: {  	_ =	swait.ge [sflag:s22], $0x5000  }
0x97: {  	[sflag:s22] =	ssyncset.done $0x0  }
0x98: {  	[sflag:s22] =	ssyncadd.s32 $0xFFFFB000  }
0x99: {  	_ =	swait.ge [sflag:s1], $0x2800  }
0x9a: {  	[sflag:s1] =	ssyncset.done $0x0  }
0x9b: {  	[sflag:s1] =	ssyncadd.s32 $0xFFFFD800  }
0x9c: {  	[tilespmem:s24], [sflag:$0x1] =	stream.indirect.gather [spmem:s2], $0x80, s6, s23, $0xb8;
	[tilespmem:$0x1F000] =	vst v63  }
0x9d: {  	_ =	swait.ge [sflag:s1], $0x2800  }
0x9e: {  	[sflag:s1] =	ssyncset.done $0x0  }
0x9f: {  	[sflag:s1] =	ssyncadd.s32 $0xFFFFD800  }
0xa0: {  	[tilespmem:s26], [sflag:$0x1] =	stream.indirect.gather [spmem:s2], $0x80, s25, s23, $0xb8;
	[tilespmem:$0x1F000] =	vst v63  }
0xa1: {  	_ =	swait.ge [sflag:s1], $0x2800  }
0xa2: {  	[sflag:s1] =	ssyncset.done $0x0  }
0xa3: {  	[sflag:s1] =	ssyncadd.s32 $0xFFFFD800  }
0xa4: {  	[tilespmem:s29], [sflag:$0x1] =	stream.indirect.gather [spmem:s2], $0x80, s28, s23, $0xb8;
	[tilespmem:$0x1F000] =	vst v63  }
0xa5: {  	_ =	swait.ge [sflag:s1], $0x2800  }
0xa6: {  	[sflag:s1] =	ssyncset.done $0x0  }
0xa7: {  	[sflag:s1] =	ssyncadd.s32 $0xFFFFD800  }
0xa8: {  	[tilespmem:s31], [sflag:$0x1] =	stream.indirect.gather [spmem:s2], $0x80, s30, s23, $0xb8;
	[tilespmem:$0x1F000] =	vst v63  }
0xa9: {  	_ =	swait.ge [sflag:s0], $0x2800  }
0xaa: {  	[sflag:s0] =	ssyncset.done $0x0  }
0xab: {  	[sflag:s0] =	ssyncadd.s32 $0xFFFFD800  }
0xac: {  	[hbm4b:s13+s6] =	stream.linear.scatter [tilespmem:s24], [sflag:$0x2], $0x2800, $0x38;
	[tilespmem:$0x1F000] =	vst v63  }
0xad: {  	_ =	swait.ge [sflag:s0], $0x2800  }
0xae: {  	[sflag:s0] =	ssyncset.done $0x0  }
0xaf: {  	[sflag:s0] =	ssyncadd.s32 $0xFFFFD800  }
0xb0: {  	[hbm4b:s14+s6] =	stream.linear.scatter [tilespmem:s26], [sflag:$0x2], $0x2800, $0x38;
	[tilespmem:$0x1F000] =	vst v63  }
0xb1: {  	_ =	swait.ge [sflag:s0], $0x2800  }
0xb2: {  	[sflag:s0] =	ssyncset.done $0x0  }
0xb3: {  	[sflag:s0] =	ssyncadd.s32 $0xFFFFD800  }
0xb4: {  	[hbm4b:s15+s6] =	stream.linear.scatter [tilespmem:s29], [sflag:$0x2], $0x2800, $0x38;
	[tilespmem:$0x1F000] =	vst v63  }
0xb5: {  	_ =	swait.ge [sflag:s0], $0x2800  }
0xb6: {  	[sflag:s0] =	ssyncset.done $0x0  }
0xb7: {  	[sflag:s0] =	ssyncadd.s32 $0xFFFFD800  }
0xb8: {  	[hbm4b:s16+s6] =	stream.linear.scatter [tilespmem:s31], [sflag:$0x2], $0x2800, $0x38;
	[tilespmem:$0x1F000] =	vst v63  }
0xb9: {  	_ =	swait.ge [sflag:s1], $0x2800  }
0xba: {  	[sflag:s1] =	ssyncset.done $0x0  }
0xbb: {  	s7 =	simm.s32 $0x200;
	[sflag:s1] =	ssyncadd.s32 $0xFFFFD800  }
0xbc: {  	[tilespmem:s24], [sflag:$0x1] =	stream.indirect.gather [spmem:s2], $0x80, s7, s23, $0xb8;
	[tilespmem:$0x1F000] =	vst v63  }
0xbd: {  	_ =	swait.ge [sflag:s1], $0x2800  }
0xbe: {  	[sflag:s1] =	ssyncset.done $0x0  }
0xbf: {  	s10 =	simm.s32 $0x280;
	[sflag:s1] =	ssyncadd.s32 $0xFFFFD800  }
0xc0: {  	[tilespmem:s26], [sflag:$0x1] =	stream.indirect.gather [spmem:s2], $0x80, s10, s23, $0xb8;
	[tilespmem:$0x1F000] =	vst v63  }
0xc1: {  	_ =	swait.ge [sflag:s1], $0x2800  }
0xc2: {  	[sflag:s1] =	ssyncset.done $0x0  }
0xc3: {  	s6 =	simm.s32 $0x300;
	[sflag:s1] =	ssyncadd.s32 $0xFFFFD800  }
0xc4: {  	[tilespmem:s29], [sflag:$0x1] =	stream.indirect.gather [spmem:s2], $0x80, s6, s23, $0xb8;
	[tilespmem:$0x1F000] =	vst v63  }
0xc5: {  	_ =	swait.ge [sflag:s1], $0x2800  }
0xc6: {  	[sflag:s1] =	ssyncset.done $0x0  }
0xc7: {  	s7 =	simm.s32 $0x380;
	[sflag:s1] =	ssyncadd.s32 $0xFFFFD800  }
0xc8: {  	[tilespmem:s31], [sflag:$0x1] =	stream.indirect.gather [spmem:s2], $0x80, s7, s23, $0xb8;
	[tilespmem:$0x1F000] =	vst v63  }
0xc9: {  	_ =	swait.ge [sflag:s0], $0x2800  }
0xca: {  	s6 =	sadd.s32 $0x0, s18;
	[sflag:s0] =	ssyncset.done $0x0  }
0xcb: {  	s10 =	sadd.s32 $0x33400, s6;
	[sflag:s0] =	ssyncadd.s32 $0xFFFFD800  }
0xcc: {  	[hbm4b:s10+s3] =	stream.linear.scatter [tilespmem:s24], [sflag:$0x2], $0x2800, $0x38;
	[tilespmem:$0x1F000] =	vst v63  }
0xcd: {  	_ =	swait.ge [sflag:s0], $0x2800  }
0xce: {  	[sflag:s0] =	ssyncset.done $0x0  }
0xcf: {  	s7 =	sadd.s32 $0x33900, s6;
	[sflag:s0] =	ssyncadd.s32 $0xFFFFD800  }
0xd0: {  	[hbm4b:s7+s3] =	stream.linear.scatter [tilespmem:s26], [sflag:$0x2], $0x2800, $0x38;
	[tilespmem:$0x1F000] =	vst v63  }
0xd1: {  	_ =	swait.ge [sflag:s0], $0x2800  }
0xd2: {  	[sflag:s0] =	ssyncset.done $0x0  }
0xd3: {  	s10 =	sadd.s32 $0x33E00, s6;
	[sflag:s0] =	ssyncadd.s32 $0xFFFFD800  }
0xd4: {  	[hbm4b:s10+s3] =	stream.linear.scatter [tilespmem:s29], [sflag:$0x2], $0x2800, $0x38;
	[tilespmem:$0x1F000] =	vst v63  }
0xd5: {  	_ =	swait.ge [sflag:s0], $0x2800  }
0xd6: {  	s5 =	simm.s32 $0x1400;
	[sflag:s0] =	ssyncset.done $0x0  }
0xd7: {  	s7 =	sadd.s32 $0x34300, s6;
	s6 =	simm.s32 $0x580;
	[sflag:s0] =	ssyncadd.s32 $0xFFFFD800  }
.LBB2_4:
0xd8: {  	[hbm4b:s7+s3] =	stream.linear.scatter [tilespmem:s31], [sflag:$0x2], $0x2800, $0x38;
	[tilespmem:$0x1F000] =	vst v63  }
0xd9: {  	s7 =	smov.u32 s5  }
0xda: {  	p2 =	sne.s32 s5, $0x2F800;
	s5 =	sadd.s32 $0x1400, s5;
	_ =	swait.ge [sflag:s1], $0x2800  }
0xdb: {  	[sflag:s1] =	ssyncset.done $0x0  }
0xdc: {  	s10 =	sadd.s32 $0xFFFFFE80, s6;
	[sflag:s1] =	ssyncadd.s32 $0xFFFFD800  }
0xdd: {  	[tilespmem:s24], [sflag:$0x1] =	stream.indirect.gather [spmem:s2], $0x80, s10, s23, $0xb8;
	[tilespmem:$0x1F000] =	vst v63  }
0xde: {  	_ =	swait.ge [sflag:s1], $0x2800  }
0xdf: {  	[sflag:s1] =	ssyncset.done $0x0  }
0xe0: {  	s10 =	sadd.s32 $0xFFFFFF00, s6;
	[sflag:s1] =	ssyncadd.s32 $0xFFFFD800  }
0xe1: {  	[tilespmem:s26], [sflag:$0x1] =	stream.indirect.gather [spmem:s2], $0x80, s10, s23, $0xb8;
	[tilespmem:$0x1F000] =	vst v63  }
0xe2: {  	_ =	swait.ge [sflag:s1], $0x2800  }
0xe3: {  	[sflag:s1] =	ssyncset.done $0x0  }
0xe4: {  	s10 =	sadd.s32 $0xFFFFFF80, s6;
	[sflag:s1] =	ssyncadd.s32 $0xFFFFD800  }
0xe5: {  	[tilespmem:s29], [sflag:$0x1] =	stream.indirect.gather [spmem:s2], $0x80, s10, s23, $0xb8;
	[tilespmem:$0x1F000] =	vst v63  }
0xe6: {  	_ =	swait.ge [sflag:s1], $0x2800  }
0xe7: {  	[sflag:s1] =	ssyncset.done $0x0  }
0xe8: {  	[sflag:s1] =	ssyncadd.s32 $0xFFFFD800  }
0xe9: {  	[tilespmem:s31], [sflag:$0x1] =	stream.indirect.gather [spmem:s2], $0x80, s6, s23, $0xb8;
	[tilespmem:$0x1F000] =	vst v63  }
0xea: {  	_ =	swait.ge [sflag:s0], $0x2800  }
0xeb: {  	s7 =	sadd.s32 s7, s18;
	[sflag:s0] =	ssyncset.done $0x0  }
0xec: {  	s10 =	sadd.s32 $0x33400, s7;
	[sflag:s0] =	ssyncadd.s32 $0xFFFFD800  }
0xed: {  	[hbm4b:s10+s3] =	stream.linear.scatter [tilespmem:s24], [sflag:$0x2], $0x2800, $0x38;
	[tilespmem:$0x1F000] =	vst v63  }
0xee: {  	_ =	swait.ge [sflag:s0], $0x2800  }
0xef: {  	[sflag:s0] =	ssyncset.done $0x0  }
0xf0: {  	s10 =	sadd.s32 $0x33900, s7;
	[sflag:s0] =	ssyncadd.s32 $0xFFFFD800  }
0xf1: {  	[hbm4b:s10+s3] =	stream.linear.scatter [tilespmem:s26], [sflag:$0x2], $0x2800, $0x38;
	[tilespmem:$0x1F000] =	vst v63  }
0xf2: {  	_ =	swait.ge [sflag:s0], $0x2800  }
0xf3: {  	[sflag:s0] =	ssyncset.done $0x0  }
.Ltmp1:
0xf4: {  	s10 =	sadd.s32 $0x33E00, s7;
	[sflag:s0] =	ssyncadd.s32 $0xFFFFD800;
	(pc) =	sbr.rel @p2 .LBB2_4-.Ltmp1, $4  }
0xf5: {  	[hbm4b:s10+s3] =	stream.linear.scatter [tilespmem:s29], [sflag:$0x2], $0x2800, $0x38;
	[tilespmem:$0x1F000] =	vst v63  }
0xf6: {  	_ =	swait.ge [sflag:s0], $0x2800  }
0xf7: {  	[sflag:s0] =	ssyncset.done $0x0  }
0xf8: {  	s6 =	sadd.s32 $0x200, s6;
	s7 =	sadd.s32 $0x34300, s7;
	[sflag:s0] =	ssyncadd.s32 $0xFFFFD800  }
0xf9: {  	[hbm4b:s7+s3] =	stream.linear.scatter [tilespmem:s31], [sflag:$0x2], $0x2800, $0x38;
	[tilespmem:$0x1F000] =	vst v63  }
0xfa: {  	_ =	swait.ge [sflag:s1], $0x2800  }
0xfb: {  	[sflag:s1] =	ssyncset.done $0x0  }
0xfc: {  	[sflag:s1] =	ssyncadd.s32 $0xFFFFD800  }
0xfd: {  	_ =	swait.ge [sflag:s1], $0x2800  }
0xfe: {  	[sflag:s1] =	ssyncset.done $0x0  }
0xff: {  	s4 =	sadd.s32 $0x1, s4;
	[sflag:s1] =	ssyncadd.s32 $0xFFFFD800  }
0x100: {  	p2 =	sne.s32 s4, s17;
	_ =	swait.ge [sflag:s1], $0x2800  }
.Ltmp2:
0x101: {  	[sflag:s1] =	ssyncset.done $0x0;
	(pc) =	sbr.rel @p2 .LBB2_1-.Ltmp2, $4  }
0x102: {  	[sflag:s1] =	ssyncadd.s32 $0xFFFFD800  }
0x103: {  	_ =	swait.ge [sflag:s1], $0x2800  }
0x104: {  	[sflag:s1] =	ssyncset.done $0x0  }
0x105: {  	[sflag:s1] =	ssyncadd.s32 $0xFFFFD800  }
0x106: {  	_ =	sfence.sel $0x180000  }
0x107: {  	[bflag:$0x0] =	sbarrier.arrive $0xFFFF  }
0x108: {  	_ =	strace $0x90000047  }
0x109: {  	[bflag:$0x2] =	sbarrier.arrive $0xFFFF  }
0x10a: {  	s0 =	rddreg [dreg:$0x4]  }
0x10b: {  	s0 =	sadd.s32 @!p0 $0x100000, s0  }
0x10c: {  	[sflag:s0] =	ssyncadd.tile.s32 @!p0 $0x1;
	_ =	shalt  }
.Lfunc_end2:
_tile_overlayer_lowered:
.L_overlay_start_2:
0x10d: {  	(tag) =	ssettag $0x2  }
0x10e: {  	s0 =	rddreg [dreg:$0x0];
	s2 =	stileid.u32  }
0x10f: {  	s1 =	rddreg [dreg:$0x1];
	p0 =	sne.s32 s2, $0x0  }
0x110: {  	s3 =	rddreg [dreg:$0x2];
	[bflag:$0x3] =	sbarrier.arrive $0xFFFF;
	s2 =	simm.s32 @!p0 $0x1C03  }
0x111: {  	[timem:s3], [sflag:s2] =	dma.local @!p0 [hbm:s0], s1  }
0x112: {  	s0 =	simm.s32 @!p0 $0x3  }
0x113: {  	_ =	swait.ge @!p0 [sflag:s0], s1  }
0x114: {  	s1 =	ssub.s32 @!p0 $0x0, s1;
	[sflag:s0] =	ssyncset.done @!p0 $0x0  }
0x115: {  	[sflag:s0] =	ssyncadd.s32 @!p0 s1  }
0x116: {  	[bflag:$0x3] =	sbarrier.arrive $0xFFFF  }
0x117: {  	_ =	shalt  }

</sc_bundles>
